<compile_context>
chip_gen: v7x
topology: tpu7x:2x2x1
jax: 0.10.2.dev20260603
libtpu: 0.0.44.dev20260713+nightly
codegen_flags: <defaults>
</compile_context>

<pallas_src>
import functools

import jax
import jax.numpy as jnp
from jax import lax
from jax.experimental import pallas as pl
from jax.experimental.pallas import tpu as pltpu
from jax.experimental.pallas import tpu_sc as plsc

B = 4
T = 8192
D = 128
N = B * T
NC = 2
NS = 16
NW = NC * NS
RPW = N // NW
G = 128
NG = RPW // G
NBUF = 5


def _body(idx_hbm, tok_hbm, pos_hbm, out_hbm, idx_v,
          buf0, buf1, buf2, buf3, buf4, pos_sh, semp, sema, sems):
    bufs = [buf0, buf1, buf2, buf3, buf4]
    cid = lax.axis_index("c")
    sid = lax.axis_index("s")
    j = cid * (NW // (NC * B)) + sid // B
    b = lax.rem(sid, B)
    row_base = pl.multiple_of(b * T + j * RPW, RPW)
    sh_base = pl.multiple_of((sid // B) * RPW, RPW)

    stripe = (T // NC) // NS
    pltpu.sync_copy(
        pos_hbm.at[pl.ds(pl.multiple_of(cid * (T // NC) + sid * stripe, stripe),
                         stripe)],
        pos_sh.at[pl.ds(pl.multiple_of(sid * stripe, stripe), stripe)])

    pltpu.sync_copy(
        idx_hbm.at[b, pl.ds(pl.multiple_of(j * RPW, RPW), RPW)],
        idx_v)
    plsc.subcore_barrier()

    def start_pos(g):
        return pltpu.async_copy(
            pos_sh.at[pl.ds(sh_base + g * G, G)], bufs[g % NBUF],
            semp.at[g % NBUF])

    def start_gather_add(g):
        return pltpu.async_copy(
            tok_hbm.at[idx_v.at[pl.ds(g * G, G)]], bufs[g % NBUF],
            sema.at[g % NBUF], add=True)

    def start_store(g):
        return pltpu.async_copy(
            bufs[g % NBUF], out_hbm.at[pl.ds(row_base + g * G, G)],
            sems.at[g % NBUF])

    cp_p = [None] * NG
    cp_a = [None] * NG
    cp_s = [None] * NG

    for g in range(min(NBUF, NG)):
        cp_p[g] = start_pos(g)

    for g in range(NG):
        cp_p[g].wait()
        cp_a[g] = start_gather_add(g)
        if g >= 2:
            cp_a[g - 2].wait()
            cp_s[g - 2] = start_store(g - 2)
        if 3 <= g and g + NBUF - 3 < NG:
            cp_s[g - 3].wait()
            cp_p[g + NBUF - 3] = start_pos(g + NBUF - 3)

    for g in range(max(0, NG - 2), NG):
        cp_a[g].wait()
        cp_s[g] = start_store(g)
    for g in range(max(0, NG - 3), NG):
        cp_s[g].wait()


@jax.jit
def _run(idx2d, token_table, pos_table):
    mesh = plsc.VectorSubcoreMesh(core_axis_name="c", subcore_axis_name="s")
    kfn = functools.partial(
        pl.kernel,
        mesh=mesh,
        out_type=jax.ShapeDtypeStruct((N, D), jnp.float32),
        scratch_types=[
            pltpu.VMEM((RPW,), jnp.int32),
            pltpu.VMEM((G, D), jnp.float32),
            pltpu.VMEM((G, D), jnp.float32),
            pltpu.VMEM((G, D), jnp.float32),
            pltpu.VMEM((G, D), jnp.float32),
            pltpu.VMEM((G, D), jnp.float32),
            pltpu.VMEM_SHARED((T // NC, D), jnp.float32),
            pltpu.SemaphoreType.DMA((NBUF,)),
            pltpu.SemaphoreType.DMA((NBUF,)),
            pltpu.SemaphoreType.DMA((NBUF,)),
        ],
    )(_body)
    return kfn(idx2d, token_table, pos_table)


def kernel(idx, token_table, pos_table):
    out = _run(idx.astype(jnp.int32), token_table, pos_table)
    return out.reshape(B, T, D)

# --- scband reference (transcript-rebuilt; emitter-appended) ---
"""Pipeline reference for scband-token-pos-embedding-50843822850360 (READ-ONLY COPY).

The authoritative reference and input builder live on the scoring server;
editing this copy changes nothing except your own understanding.
"""

import jax, jax.numpy as jnp
import numpy as np

VOCAB = 100000
N_EMBD = 128
BLOCK = 8192
B, T = 4, 8192

def setup_inputs(seed: int = 0) -> dict:
    key = jax.random.key(seed)
    k_idx, k_tok, k_pos = jax.random.split(key, 3)
    idx = jax.random.randint(k_idx, (B, T), 0, VOCAB, dtype=jnp.int64 if jax.config.jax_enable_x64 else jnp.int32)
    token_table = jax.random.normal(k_tok, (VOCAB, N_EMBD), dtype=jnp.float32) * 0.02
    pos_table = jax.random.normal(k_pos, (BLOCK, N_EMBD), dtype=jnp.float32) * 0.02
    return {"idx": idx, "token_table": token_table, "pos_table": pos_table}

def reference(idx, token_table, pos_table):
    # tok = self.token(idx)
    tok = jnp.take(token_table, idx, axis=0)            # [B, T, n_embd] gather
    # pos = self.pos(self.pos_ids[:T])
    T_cur = idx.shape[1]
    pos_ids = jnp.arange(T_cur)
    pos = jnp.take(pos_table, pos_ids, axis=0)          # [T, n_embd]
    return tok + pos[None, :, :]

if __name__ == "__main__":
    import jax
    _d = setup_inputs()
    print(jax.jit(kernel)(*tuple(_d.values())))

</pallas_src>

<mosaic_0001>
#map = affine_map<(d0, d1) -> (0, 0)>
module attributes {stable_mosaic.version = 14 : i64} {
  func.func @_body(%arg0: i32, %arg1: i32, %arg2: memref<4x8192xi32, #tpu.memory_space<hbm>>, %arg3: memref<100000x128xf32, #tpu.memory_space<hbm>>, %arg4: memref<8192x128xf32, #tpu.memory_space<hbm>>, %arg5: memref<32768x128xf32, #tpu.memory_space<hbm>>, %arg6: memref<1024xi32, #tpu.memory_space<vmem>>, %arg7: memref<128x128xf32, #tpu.memory_space<vmem>>, %arg8: memref<128x128xf32, #tpu.memory_space<vmem>>, %arg9: memref<128x128xf32, #tpu.memory_space<vmem>>, %arg10: memref<128x128xf32, #tpu.memory_space<vmem>>, %arg11: memref<128x128xf32, #tpu.memory_space<vmem>>, %arg12: memref<4096x128xf32, #tpu.memory_space<vmem_shared>>, %arg13: memref<5x!tpu.dma_semaphore, #tpu.memory_space<semaphore_mem>>, %arg14: memref<5x!tpu.dma_semaphore, #tpu.memory_space<semaphore_mem>>, %arg15: memref<5x!tpu.dma_semaphore, #tpu.memory_space<semaphore_mem>>) attributes {dimension_semantics = [#tpu.dimension_semantics<core_parallel>, #tpu.dimension_semantics<subcore_parallel>], iteration_bounds = array<i64: 2, 16>, scalar_prefetch = 0 : i64, scratch_operands = 10 : i64, tpu.core_type = #tpu.core_type<sc_vector_subcore>, window_params = [{transform_indices = #map}, {transform_indices = #map}, {transform_indices = #map}, {transform_indices = #map}]} {
    %mul3A = arith.constant 4 : i32
    %mul3A_0 = arith.muli %arg0, %mul3A : i32
    %jit3A = arith.constant 4 : i32
    %div3A = arith.divsi %arg1, %jit3A : i32
    %sign3A = arith.constant 0 : i32
    %sign3A_1 = arith.cmpi sgt, %arg1, %sign3A : i32
    %sign3A_2 = arith.extui %sign3A_1 : i1 to i32
    %sign3A_3 = arith.constant 0 : i32
    %sign3A_4 = arith.cmpi slt, %arg1, %sign3A_3 : i32
    %sign3A_5 = arith.extui %sign3A_4 : i1 to i32
    %sign3A_6 = arith.subi %sign3A_2, %sign3A_5 : i32
    %sign3A_7 = arith.constant 0 : i32
    %sign3A_8 = arith.cmpi sgt, %jit3A, %sign3A_7 : i32
    %sign3A_9 = arith.extui %sign3A_8 : i1 to i32
    %sign3A_10 = arith.constant 0 : i32
    %sign3A_11 = arith.cmpi slt, %jit3A, %sign3A_10 : i32
    %sign3A_12 = arith.extui %sign3A_11 : i1 to i32
    %sign3A_13 = arith.subi %sign3A_9, %sign3A_12 : i32
    %ne3A = arith.cmpi ne, %sign3A_6, %sign3A_13 : i32
    %rem3A = arith.remsi %arg1, %jit3A : i32
    %ne3A_14 = arith.constant 0 : i32
    %ne3A_15 = arith.cmpi ne, %rem3A, %ne3A_14 : i32
    %and3A = arith.andi %ne3A, %ne3A_15 : i1
    %sub3A = arith.constant 1 : i32
    %sub3A_16 = arith.subi %div3A, %sub3A : i32
    %select_n3A = arith.select %and3A, %sub3A_16, %div3A : i32
    %add3A = arith.addi %mul3A_0, %select_n3A : i32
    %rem3A_17 = arith.constant 4 : i32
    %rem3A_18 = arith.remsi %arg1, %rem3A_17 : i32
    %mul3A_19 = arith.constant 8192 : i32
    %mul3A_20 = arith.muli %rem3A_18, %mul3A_19 : i32
    %mul3A_21 = arith.constant 1024 : i32
    %mul3A_22 = arith.muli %add3A, %mul3A_21 : i32
    %add3A_23 = arith.addi %mul3A_20, %mul3A_22 : i32
    %multiple_of3A = tpu.assume_multiple %add3A_23, 1024 : i32
    %jit3A_24 = arith.constant 4 : i32
    %div3A_25 = arith.divsi %arg1, %jit3A_24 : i32
    %sign3A_26 = arith.constant 0 : i32
    %sign3A_27 = arith.cmpi sgt, %arg1, %sign3A_26 : i32
    %sign3A_28 = arith.extui %sign3A_27 : i1 to i32
    %sign3A_29 = arith.constant 0 : i32
    %sign3A_30 = arith.cmpi slt, %arg1, %sign3A_29 : i32
    %sign3A_31 = arith.extui %sign3A_30 : i1 to i32
    %sign3A_32 = arith.subi %sign3A_28, %sign3A_31 : i32
    %sign3A_33 = arith.constant 0 : i32
    %sign3A_34 = arith.cmpi sgt, %jit3A_24, %sign3A_33 : i32
    %sign3A_35 = arith.extui %sign3A_34 : i1 to i32
    %sign3A_36 = arith.constant 0 : i32
    %sign3A_37 = arith.cmpi slt, %jit3A_24, %sign3A_36 : i32
    %sign3A_38 = arith.extui %sign3A_37 : i1 to i32
    %sign3A_39 = arith.subi %sign3A_35, %sign3A_38 : i32
    %ne3A_40 = arith.cmpi ne, %sign3A_32, %sign3A_39 : i32
    %rem3A_41 = arith.remsi %arg1, %jit3A_24 : i32
    %ne3A_42 = arith.constant 0 : i32
    %ne3A_43 = arith.cmpi ne, %rem3A_41, %ne3A_42 : i32
    %and3A_44 = arith.andi %ne3A_40, %ne3A_43 : i1
    %sub3A_45 = arith.constant 1 : i32
    %sub3A_46 = arith.subi %div3A_25, %sub3A_45 : i32
    %select_n3A_47 = arith.select %and3A_44, %sub3A_46, %div3A_25 : i32
    %mul3A_48 = arith.constant 1024 : i32
    %mul3A_49 = arith.muli %select_n3A_47, %mul3A_48 : i32
    %multiple_of3A_50 = tpu.assume_multiple %mul3A_49, 1024 : i32
    %mul3A_51 = arith.constant 4096 : i32
    %mul3A_52 = arith.muli %arg0, %mul3A_51 : i32
    %mul3A_53 = arith.constant 256 : i32
    %mul3A_54 = arith.muli %arg1, %mul3A_53 : i32
    %add3A_55 = arith.addi %mul3A_52, %mul3A_54 : i32
    %multiple_of3A_56 = tpu.assume_multiple %add3A_55, 256 : i32
    %mul3A_57 = arith.constant 256 : i32
    %mul3A_58 = arith.muli %arg1, %mul3A_57 : i32
    %multiple_of3A_59 = tpu.assume_multiple %mul3A_58, 256 : i32
    "tpu.region"() ({
      %run_scoped3A = tpu.sem_alloc : memref<!tpu.dma_semaphore, #tpu.memory_space<semaphore_mem>>
      %dma_start3A_431 = arith.constant 0 : i32
      %dma_start3A_432 = tpu.memref_slice %arg12[%multiple_of3A_59, %dma_start3A_431] : memref<4096x128xf32, #tpu.memory_space<vmem_shared>> -> memref<256x128xf32, #tpu.memory_space<vmem_shared>>
      %dma_start3A_433 = arith.constant 0 : i32
      %dma_start3A_434 = tpu.memref_slice %arg4[%multiple_of3A_56, %dma_start3A_433] : memref<8192x128xf32, #tpu.memory_space<hbm>> -> memref<256x128xf32, #tpu.memory_space<hbm>>
      tpu.enqueue_dma source(%dma_start3A_434 : memref<256x128xf32, #tpu.memory_space<hbm>>) target(%dma_start3A_432 : memref<256x128xf32, #tpu.memory_space<vmem_shared>>) target_semaphore(%run_scoped3A : memref<!tpu.dma_semaphore, #tpu.memory_space<semaphore_mem>>)
      %dma_wait3A_435 = arith.constant 0 : i32
      %dma_wait3A_436 = tpu.memref_slice %arg12[%multiple_of3A_59, %dma_wait3A_435] : memref<4096x128xf32, #tpu.memory_space<vmem_shared>> -> memref<256x128xf32, #tpu.memory_space<vmem_shared>>
      %dma_wait3A_437 = arith.constant 0 : i32
      %dma_wait3A_438 = tpu.memref_slice %arg4[%multiple_of3A_56, %dma_wait3A_437] : memref<8192x128xf32, #tpu.memory_space<hbm>> -> memref<256x128xf32, #tpu.memory_space<hbm>>
      tpu.wait_dma2 semaphore(%run_scoped3A : memref<!tpu.dma_semaphore, #tpu.memory_space<semaphore_mem>>) src(%dma_wait3A_438 : memref<256x128xf32, #tpu.memory_space<hbm>>) dst(%dma_wait3A_436 : memref<256x128xf32, #tpu.memory_space<vmem_shared>>)
      tpu.yield
    }) : () -> ()
    %mul3A_60 = arith.constant 1024 : i32
    %mul3A_61 = arith.muli %add3A, %mul3A_60 : i32
    %multiple_of3A_62 = tpu.assume_multiple %mul3A_61, 1024 : i32
    "tpu.region"() ({
      %run_scoped3A = tpu.sem_alloc : memref<!tpu.dma_semaphore, #tpu.memory_space<semaphore_mem>>
      %dma_start3A_431 = tpu.memref_slice %arg2[%rem3A_18, %multiple_of3A_62] : memref<4x8192xi32, #tpu.memory_space<hbm>> -> memref<1x1024xi32, #tpu.memory_space<hbm>>
      %dma_start3A_432 = tpu.memref_squeeze %dma_start3A_431 : memref<1x1024xi32, #tpu.memory_space<hbm>> -> memref<1024xi32, #tpu.memory_space<hbm>>
      %dma_start3A_433 = tpu.memref_slice %arg2[%rem3A_18, %multiple_of3A_62] : memref<4x8192xi32, #tpu.memory_space<hbm>> -> memref<1x1024xi32, #tpu.memory_space<hbm>>
      %dma_start3A_434 = tpu.memref_squeeze %dma_start3A_433 : memref<1x1024xi32, #tpu.memory_space<hbm>> -> memref<1024xi32, #tpu.memory_space<hbm>>
      tpu.enqueue_dma source(%dma_start3A_434 : memref<1024xi32, #tpu.memory_space<hbm>>) target(%arg6 : memref<1024xi32, #tpu.memory_space<vmem>>) target_semaphore(%run_scoped3A : memref<!tpu.dma_semaphore, #tpu.memory_space<semaphore_mem>>)
      %dma_wait3A_435 = tpu.memref_slice %arg2[%rem3A_18, %multiple_of3A_62] : memref<4x8192xi32, #tpu.memory_space<hbm>> -> memref<1x1024xi32, #tpu.memory_space<hbm>>
      %dma_wait3A_436 = tpu.memref_squeeze %dma_wait3A_435 : memref<1x1024xi32, #tpu.memory_space<hbm>> -> memref<1024xi32, #tpu.memory_space<hbm>>
      %dma_wait3A_437 = tpu.memref_slice %arg2[%rem3A_18, %multiple_of3A_62] : memref<4x8192xi32, #tpu.memory_space<hbm>> -> memref<1x1024xi32, #tpu.memory_space<hbm>>
      %dma_wait3A_438 = tpu.memref_squeeze %dma_wait3A_437 : memref<1x1024xi32, #tpu.memory_space<hbm>> -> memref<1024xi32, #tpu.memory_space<hbm>>
      tpu.wait_dma2 semaphore(%run_scoped3A : memref<!tpu.dma_semaphore, #tpu.memory_space<semaphore_mem>>) src(%dma_wait3A_438 : memref<1024xi32, #tpu.memory_space<hbm>>) dst(%arg6 : memref<1024xi32, #tpu.memory_space<vmem>>)
      tpu.yield
    }) : () -> ()
    %barrier3A = arith.constant 0 : index
    tpu.barrier barrier_id(%barrier3A)
    %add3A_63 = arith.constant 0 : i32
    %add3A_64 = arith.addi %multiple_of3A_50, %add3A_63 : i32
    %dma_start3A = arith.constant 0 : i32
    %dma_start3A_65 = arith.constant 0 : i32
    %dma_start3A_66 = tpu.memref_slice %arg12[%add3A_64, %dma_start3A_65] : memref<4096x128xf32, #tpu.memory_space<vmem_shared>> -> memref<128x128xf32, #tpu.memory_space<vmem_shared>>
    %dma_start3A_67 = tpu.memref_slice %arg13[%dma_start3A] : memref<5x!tpu.dma_semaphore, #tpu.memory_space<semaphore_mem>> -> memref<1x!tpu.dma_semaphore, #tpu.memory_space<semaphore_mem>>
    %dma_start3A_68 = tpu.memref_squeeze %dma_start3A_67 : memref<1x!tpu.dma_semaphore, #tpu.memory_space<semaphore_mem>> -> memref<!tpu.dma_semaphore, #tpu.memory_space<semaphore_mem>>
    %dma_start3A_69 = arith.constant 0 : i32
    %dma_start3A_70 = tpu.memref_slice %arg12[%add3A_64, %dma_start3A_69] : memref<4096x128xf32, #tpu.memory_space<vmem_shared>> -> memref<128x128xf32, #tpu.memory_space<vmem_shared>>
    tpu.enqueue_dma source(%dma_start3A_70 : memref<128x128xf32, #tpu.memory_space<vmem_shared>>) target(%arg7 : memref<128x128xf32, #tpu.memory_space<vmem>>) target_semaphore(%dma_start3A_68 : memref<!tpu.dma_semaphore, #tpu.memory_space<semaphore_mem>>)
    %add3A_71 = arith.constant 128 : i32
    %add3A_72 = arith.addi %multiple_of3A_50, %add3A_71 : i32
    %dma_start3A_73 = arith.constant 1 : i32
    %dma_start3A_74 = arith.constant 0 : i32
    %dma_start3A_75 = tpu.memref_slice %arg12[%add3A_72, %dma_start3A_74] : memref<4096x128xf32, #tpu.memory_space<vmem_shared>> -> memref<128x128xf32, #tpu.memory_space<vmem_shared>>
    %dma_start3A_76 = tpu.memref_slice %arg13[%dma_start3A_73] : memref<5x!tpu.dma_semaphore, #tpu.memory_space<semaphore_mem>> -> memref<1x!tpu.dma_semaphore, #tpu.memory_space<semaphore_mem>>
    %dma_start3A_77 = tpu.memref_squeeze %dma_start3A_76 : memref<1x!tpu.dma_semaphore, #tpu.memory_space<semaphore_mem>> -> memref<!tpu.dma_semaphore, #tpu.memory_space<semaphore_mem>>
    %dma_start3A_78 = arith.constant 0 : i32
    %dma_start3A_79 = tpu.memref_slice %arg12[%add3A_72, %dma_start3A_78] : memref<4096x128xf32, #tpu.memory_space<vmem_shared>> -> memref<128x128xf32, #tpu.memory_space<vmem_shared>>
    tpu.enqueue_dma source(%dma_start3A_79 : memref<128x128xf32, #tpu.memory_space<vmem_shared>>) target(%arg8 : memref<128x128xf32, #tpu.memory_space<vmem>>) target_semaphore(%dma_start3A_77 : memref<!tpu.dma_semaphore, #tpu.memory_space<semaphore_mem>>)
    %add3A_80 = arith.constant 256 : i32
    %add3A_81 = arith.addi %multiple_of3A_50, %add3A_80 : i32
    %dma_start3A_82 = arith.constant 2 : i32
    %dma_start3A_83 = arith.constant 0 : i32
    %dma_start3A_84 = tpu.memref_slice %arg12[%add3A_81, %dma_start3A_83] : memref<4096x128xf32, #tpu.memory_space<vmem_shared>> -> memref<128x128xf32, #tpu.memory_space<vmem_shared>>
    %dma_start3A_85 = tpu.memref_slice %arg13[%dma_start3A_82] : memref<5x!tpu.dma_semaphore, #tpu.memory_space<semaphore_mem>> -> memref<1x!tpu.dma_semaphore, #tpu.memory_space<semaphore_mem>>
    %dma_start3A_86 = tpu.memref_squeeze %dma_start3A_85 : memref<1x!tpu.dma_semaphore, #tpu.memory_space<semaphore_mem>> -> memref<!tpu.dma_semaphore, #tpu.memory_space<semaphore_mem>>
    %dma_start3A_87 = arith.constant 0 : i32
    %dma_start3A_88 = tpu.memref_slice %arg12[%add3A_81, %dma_start3A_87] : memref<4096x128xf32, #tpu.memory_space<vmem_shared>> -> memref<128x128xf32, #tpu.memory_space<vmem_shared>>
    tpu.enqueue_dma source(%dma_start3A_88 : memref<128x128xf32, #tpu.memory_space<vmem_shared>>) target(%arg9 : memref<128x128xf32, #tpu.memory_space<vmem>>) target_semaphore(%dma_start3A_86 : memref<!tpu.dma_semaphore, #tpu.memory_space<semaphore_mem>>)
    %add3A_89 = arith.constant 384 : i32
    %add3A_90 = arith.addi %multiple_of3A_50, %add3A_89 : i32
    %dma_start3A_91 = arith.constant 3 : i32
    %dma_start3A_92 = arith.constant 0 : i32
    %dma_start3A_93 = tpu.memref_slice %arg12[%add3A_90, %dma_start3A_92] : memref<4096x128xf32, #tpu.memory_space<vmem_shared>> -> memref<128x128xf32, #tpu.memory_space<vmem_shared>>
    %dma_start3A_94 = tpu.memref_slice %arg13[%dma_start3A_91] : memref<5x!tpu.dma_semaphore, #tpu.memory_space<semaphore_mem>> -> memref<1x!tpu.dma_semaphore, #tpu.memory_space<semaphore_mem>>
    %dma_start3A_95 = tpu.memref_squeeze %dma_start3A_94 : memref<1x!tpu.dma_semaphore, #tpu.memory_space<semaphore_mem>> -> memref<!tpu.dma_semaphore, #tpu.memory_space<semaphore_mem>>
    %dma_start3A_96 = arith.constant 0 : i32
    %dma_start3A_97 = tpu.memref_slice %arg12[%add3A_90, %dma_start3A_96] : memref<4096x128xf32, #tpu.memory_space<vmem_shared>> -> memref<128x128xf32, #tpu.memory_space<vmem_shared>>
    tpu.enqueue_dma source(%dma_start3A_97 : memref<128x128xf32, #tpu.memory_space<vmem_shared>>) target(%arg10 : memref<128x128xf32, #tpu.memory_space<vmem>>) target_semaphore(%dma_start3A_95 : memref<!tpu.dma_semaphore, #tpu.memory_space<semaphore_mem>>)
    %add3A_98 = arith.constant 512 : i32
    %add3A_99 = arith.addi %multiple_of3A_50, %add3A_98 : i32
    %dma_start3A_100 = arith.constant 4 : i32
    %dma_start3A_101 = arith.constant 0 : i32
    %dma_start3A_102 = tpu.memref_slice %arg12[%add3A_99, %dma_start3A_101] : memref<4096x128xf32, #tpu.memory_space<vmem_shared>> -> memref<128x128xf32, #tpu.memory_space<vmem_shared>>
    %dma_start3A_103 = tpu.memref_slice %arg13[%dma_start3A_100] : memref<5x!tpu.dma_semaphore, #tpu.memory_space<semaphore_mem>> -> memref<1x!tpu.dma_semaphore, #tpu.memory_space<semaphore_mem>>
    %dma_start3A_104 = tpu.memref_squeeze %dma_start3A_103 : memref<1x!tpu.dma_semaphore, #tpu.memory_space<semaphore_mem>> -> memref<!tpu.dma_semaphore, #tpu.memory_space<semaphore_mem>>
    %dma_start3A_105 = arith.constant 0 : i32
    %dma_start3A_106 = tpu.memref_slice %arg12[%add3A_99, %dma_start3A_105] : memref<4096x128xf32, #tpu.memory_space<vmem_shared>> -> memref<128x128xf32, #tpu.memory_space<vmem_shared>>
    tpu.enqueue_dma source(%dma_start3A_106 : memref<128x128xf32, #tpu.memory_space<vmem_shared>>) target(%arg11 : memref<128x128xf32, #tpu.memory_space<vmem>>) target_semaphore(%dma_start3A_104 : memref<!tpu.dma_semaphore, #tpu.memory_space<semaphore_mem>>)
    %dma_wait3A = arith.constant 0 : i32
    %dma_wait3A_107 = arith.constant 0 : i32
    %dma_wait3A_108 = tpu.memref_slice %arg12[%add3A_64, %dma_wait3A_107] : memref<4096x128xf32, #tpu.memory_space<vmem_shared>> -> memref<128x128xf32, #tpu.memory_space<vmem_shared>>
    %dma_wait3A_109 = tpu.memref_slice %arg13[%dma_wait3A] : memref<5x!tpu.dma_semaphore, #tpu.memory_space<semaphore_mem>> -> memref<1x!tpu.dma_semaphore, #tpu.memory_space<semaphore_mem>>
    %dma_wait3A_110 = tpu.memref_squeeze %dma_wait3A_109 : memref<1x!tpu.dma_semaphore, #tpu.memory_space<semaphore_mem>> -> memref<!tpu.dma_semaphore, #tpu.memory_space<semaphore_mem>>
    %dma_wait3A_111 = arith.constant 0 : i32
    %dma_wait3A_112 = tpu.memref_slice %arg12[%add3A_64, %dma_wait3A_111] : memref<4096x128xf32, #tpu.memory_space<vmem_shared>> -> memref<128x128xf32, #tpu.memory_space<vmem_shared>>
    tpu.wait_dma2 semaphore(%dma_wait3A_110 : memref<!tpu.dma_semaphore, #tpu.memory_space<semaphore_mem>>) src(%dma_wait3A_112 : memref<128x128xf32, #tpu.memory_space<vmem_shared>>) dst(%arg7 : memref<128x128xf32, #tpu.memory_space<vmem>>)
    %dma_start3A_113 = arith.constant 0 : i32
    %dma_start3A_114 = arith.constant 0 : i32
    %dma_start3A_115 = tpu.memref_slice %arg6[%dma_start3A_114] : memref<1024xi32, #tpu.memory_space<vmem>> -> memref<128xi32, #tpu.memory_space<vmem>>
    %dma_start3A_116 = arith.constant 0 : i32
    %dma_start3A_117 = arith.constant 0 : i32
    %dma_start3A_118 = tpu.memref_slice %arg3[%dma_start3A_116, %dma_start3A_117] : memref<100000x128xf32, #tpu.memory_space<hbm>> -> memref<100000x128xf32, #tpu.memory_space<hbm>>
    %dma_start3A_119 = tpu.memref_slice %arg14[%dma_start3A_113] : memref<5x!tpu.dma_semaphore, #tpu.memory_space<semaphore_mem>> -> memref<1x!tpu.dma_semaphore, #tpu.memory_space<semaphore_mem>>
    %dma_start3A_120 = tpu.memref_squeeze %dma_start3A_119 : memref<1x!tpu.dma_semaphore, #tpu.memory_space<semaphore_mem>> -> memref<!tpu.dma_semaphore, #tpu.memory_space<semaphore_mem>>
    tpu.enqueue_indirect_dma source(%dma_start3A_118 : memref<100000x128xf32, #tpu.memory_space<hbm>>) target(%arg7 : memref<128x128xf32, #tpu.memory_space<vmem>>) offsets(%dma_start3A_115 : memref<128xi32, #tpu.memory_space<vmem>>) semaphore(%dma_start3A_120 : memref<!tpu.dma_semaphore, #tpu.memory_space<semaphore_mem>>) {add = true}
    %dma_wait3A_121 = arith.constant 1 : i32
    %dma_wait3A_122 = arith.constant 0 : i32
    %dma_wait3A_123 = tpu.memref_slice %arg12[%add3A_72, %dma_wait3A_122] : memref<4096x128xf32, #tpu.memory_space<vmem_shared>> -> memref<128x128xf32, #tpu.memory_space<vmem_shared>>
    %dma_wait3A_124 = tpu.memref_slice %arg13[%dma_wait3A_121] : memref<5x!tpu.dma_semaphore, #tpu.memory_space<semaphore_mem>> -> memref<1x!tpu.dma_semaphore, #tpu.memory_space<semaphore_mem>>
    %dma_wait3A_125 = tpu.memref_squeeze %dma_wait3A_124 : memref<1x!tpu.dma_semaphore, #tpu.memory_space<semaphore_mem>> -> memref<!tpu.dma_semaphore, #tpu.memory_space<semaphore_mem>>
    %dma_wait3A_126 = arith.constant 0 : i32
    %dma_wait3A_127 = tpu.memref_slice %arg12[%add3A_72, %dma_wait3A_126] : memref<4096x128xf32, #tpu.memory_space<vmem_shared>> -> memref<128x128xf32, #tpu.memory_space<vmem_shared>>
    tpu.wait_dma2 semaphore(%dma_wait3A_125 : memref<!tpu.dma_semaphore, #tpu.memory_space<semaphore_mem>>) src(%dma_wait3A_127 : memref<128x128xf32, #tpu.memory_space<vmem_shared>>) dst(%arg8 : memref<128x128xf32, #tpu.memory_space<vmem>>)
    %dma_start3A_128 = arith.constant 1 : i32
    %dma_start3A_129 = arith.constant 128 : i32
    %dma_start3A_130 = tpu.memref_slice %arg6[%dma_start3A_129] : memref<1024xi32, #tpu.memory_space<vmem>> -> memref<128xi32, #tpu.memory_space<vmem>>
    %dma_start3A_131 = arith.constant 0 : i32
    %dma_start3A_132 = arith.constant 0 : i32
    %dma_start3A_133 = tpu.memref_slice %arg3[%dma_start3A_131, %dma_start3A_132] : memref<100000x128xf32, #tpu.memory_space<hbm>> -> memref<100000x128xf32, #tpu.memory_space<hbm>>
    %dma_start3A_134 = tpu.memref_slice %arg14[%dma_start3A_128] : memref<5x!tpu.dma_semaphore, #tpu.memory_space<semaphore_mem>> -> memref<1x!tpu.dma_semaphore, #tpu.memory_space<semaphore_mem>>
    %dma_start3A_135 = tpu.memref_squeeze %dma_start3A_134 : memref<1x!tpu.dma_semaphore, #tpu.memory_space<semaphore_mem>> -> memref<!tpu.dma_semaphore, #tpu.memory_space<semaphore_mem>>
    tpu.enqueue_indirect_dma source(%dma_start3A_133 : memref<100000x128xf32, #tpu.memory_space<hbm>>) target(%arg8 : memref<128x128xf32, #tpu.memory_space<vmem>>) offsets(%dma_start3A_130 : memref<128xi32, #tpu.memory_space<vmem>>) semaphore(%dma_start3A_135 : memref<!tpu.dma_semaphore, #tpu.memory_space<semaphore_mem>>) {add = true}
    %dma_wait3A_136 = arith.constant 2 : i32
    %dma_wait3A_137 = arith.constant 0 : i32
    %dma_wait3A_138 = tpu.memref_slice %arg12[%add3A_81, %dma_wait3A_137] : memref<4096x128xf32, #tpu.memory_space<vmem_shared>> -> memref<128x128xf32, #tpu.memory_space<vmem_shared>>
    %dma_wait3A_139 = tpu.memref_slice %arg13[%dma_wait3A_136] : memref<5x!tpu.dma_semaphore, #tpu.memory_space<semaphore_mem>> -> memref<1x!tpu.dma_semaphore, #tpu.memory_space<semaphore_mem>>
    %dma_wait3A_140 = tpu.memref_squeeze %dma_wait3A_139 : memref<1x!tpu.dma_semaphore, #tpu.memory_space<semaphore_mem>> -> memref<!tpu.dma_semaphore, #tpu.memory_space<semaphore_mem>>
    %dma_wait3A_141 = arith.constant 0 : i32
    %dma_wait3A_142 = tpu.memref_slice %arg12[%add3A_81, %dma_wait3A_141] : memref<4096x128xf32, #tpu.memory_space<vmem_shared>> -> memref<128x128xf32, #tpu.memory_space<vmem_shared>>
    tpu.wait_dma2 semaphore(%dma_wait3A_140 : memref<!tpu.dma_semaphore, #tpu.memory_space<semaphore_mem>>) src(%dma_wait3A_142 : memref<128x128xf32, #tpu.memory_space<vmem_shared>>) dst(%arg9 : memref<128x128xf32, #tpu.memory_space<vmem>>)
    %dma_start3A_143 = arith.constant 2 : i32
    %dma_start3A_144 = arith.constant 256 : i32
    %dma_start3A_145 = tpu.memref_slice %arg6[%dma_start3A_144] : memref<1024xi32, #tpu.memory_space<vmem>> -> memref<128xi32, #tpu.memory_space<vmem>>
    %dma_start3A_146 = arith.constant 0 : i32
    %dma_start3A_147 = arith.constant 0 : i32
    %dma_start3A_148 = tpu.memref_slice %arg3[%dma_start3A_146, %dma_start3A_147] : memref<100000x128xf32, #tpu.memory_space<hbm>> -> memref<100000x128xf32, #tpu.memory_space<hbm>>
    %dma_start3A_149 = tpu.memref_slice %arg14[%dma_start3A_143] : memref<5x!tpu.dma_semaphore, #tpu.memory_space<semaphore_mem>> -> memref<1x!tpu.dma_semaphore, #tpu.memory_space<semaphore_mem>>
    %dma_start3A_150 = tpu.memref_squeeze %dma_start3A_149 : memref<1x!tpu.dma_semaphore, #tpu.memory_space<semaphore_mem>> -> memref<!tpu.dma_semaphore, #tpu.memory_space<semaphore_mem>>
    tpu.enqueue_indirect_dma source(%dma_start3A_148 : memref<100000x128xf32, #tpu.memory_space<hbm>>) target(%arg9 : memref<128x128xf32, #tpu.memory_space<vmem>>) offsets(%dma_start3A_145 : memref<128xi32, #tpu.memory_space<vmem>>) semaphore(%dma_start3A_150 : memref<!tpu.dma_semaphore, #tpu.memory_space<semaphore_mem>>) {add = true}
    %dma_wait3A_151 = arith.constant 0 : i32
    %dma_wait3A_152 = arith.constant 0 : i32
    %dma_wait3A_153 = tpu.memref_slice %arg6[%dma_wait3A_152] : memref<1024xi32, #tpu.memory_space<vmem>> -> memref<128xi32, #tpu.memory_space<vmem>>
    %dma_wait3A_154 = arith.constant 0 : i32
    %dma_wait3A_155 = arith.constant 0 : i32
    %dma_wait3A_156 = tpu.memref_slice %arg3[%dma_wait3A_154, %dma_wait3A_155] : memref<100000x128xf32, #tpu.memory_space<hbm>> -> memref<100000x128xf32, #tpu.memory_space<hbm>>
    %dma_wait3A_157 = tpu.memref_slice %arg14[%dma_wait3A_151] : memref<5x!tpu.dma_semaphore, #tpu.memory_space<semaphore_mem>> -> memref<1x!tpu.dma_semaphore, #tpu.memory_space<semaphore_mem>>
    %dma_wait3A_158 = tpu.memref_squeeze %dma_wait3A_157 : memref<1x!tpu.dma_semaphore, #tpu.memory_space<semaphore_mem>> -> memref<!tpu.dma_semaphore, #tpu.memory_space<semaphore_mem>>
    tpu.wait_indirect_dma semaphore(%dma_wait3A_158 : memref<!tpu.dma_semaphore, #tpu.memory_space<semaphore_mem>>) src(%dma_wait3A_156 : memref<100000x128xf32, #tpu.memory_space<hbm>>) dst(%arg7 : memref<128x128xf32, #tpu.memory_space<vmem>>)
    %add3A_159 = arith.constant 0 : i32
    %add3A_160 = arith.addi %multiple_of3A, %add3A_159 : i32
    %dma_start3A_161 = arith.constant 0 : i32
    %dma_start3A_162 = arith.constant 0 : i32
    %dma_start3A_163 = tpu.memref_slice %arg5[%add3A_160, %dma_start3A_162] : memref<32768x128xf32, #tpu.memory_space<hbm>> -> memref<128x128xf32, #tpu.memory_space<hbm>>
    %dma_start3A_164 = tpu.memref_slice %arg15[%dma_start3A_161] : memref<5x!tpu.dma_semaphore, #tpu.memory_space<semaphore_mem>> -> memref<1x!tpu.dma_semaphore, #tpu.memory_space<semaphore_mem>>
    %dma_start3A_165 = tpu.memref_squeeze %dma_start3A_164 : memref<1x!tpu.dma_semaphore, #tpu.memory_space<semaphore_mem>> -> memref<!tpu.dma_semaphore, #tpu.memory_space<semaphore_mem>>
    %dma_start3A_166 = arith.constant 0 : i32
    %dma_start3A_167 = tpu.memref_slice %arg5[%add3A_160, %dma_start3A_166] : memref<32768x128xf32, #tpu.memory_space<hbm>> -> memref<128x128xf32, #tpu.memory_space<hbm>>
    tpu.enqueue_dma source(%arg7 : memref<128x128xf32, #tpu.memory_space<vmem>>) target(%dma_start3A_167 : memref<128x128xf32, #tpu.memory_space<hbm>>) target_semaphore(%dma_start3A_165 : memref<!tpu.dma_semaphore, #tpu.memory_space<semaphore_mem>>)
    %dma_wait3A_168 = arith.constant 3 : i32
    %dma_wait3A_169 = arith.constant 0 : i32
    %dma_wait3A_170 = tpu.memref_slice %arg12[%add3A_90, %dma_wait3A_169] : memref<4096x128xf32, #tpu.memory_space<vmem_shared>> -> memref<128x128xf32, #tpu.memory_space<vmem_shared>>
    %dma_wait3A_171 = tpu.memref_slice %arg13[%dma_wait3A_168] : memref<5x!tpu.dma_semaphore, #tpu.memory_space<semaphore_mem>> -> memref<1x!tpu.dma_semaphore, #tpu.memory_space<semaphore_mem>>
    %dma_wait3A_172 = tpu.memref_squeeze %dma_wait3A_171 : memref<1x!tpu.dma_semaphore, #tpu.memory_space<semaphore_mem>> -> memref<!tpu.dma_semaphore, #tpu.memory_space<semaphore_mem>>
    %dma_wait3A_173 = arith.constant 0 : i32
    %dma_wait3A_174 = tpu.memref_slice %arg12[%add3A_90, %dma_wait3A_173] : memref<4096x128xf32, #tpu.memory_space<vmem_shared>> -> memref<128x128xf32, #tpu.memory_space<vmem_shared>>
    tpu.wait_dma2 semaphore(%dma_wait3A_172 : memref<!tpu.dma_semaphore, #tpu.memory_space<semaphore_mem>>) src(%dma_wait3A_174 : memref<128x128xf32, #tpu.memory_space<vmem_shared>>) dst(%arg10 : memref<128x128xf32, #tpu.memory_space<vmem>>)
    %dma_start3A_175 = arith.constant 3 : i32
    %dma_start3A_176 = arith.constant 384 : i32
    %dma_start3A_177 = tpu.memref_slice %arg6[%dma_start3A_176] : memref<1024xi32, #tpu.memory_space<vmem>> -> memref<128xi32, #tpu.memory_space<vmem>>
    %dma_start3A_178 = arith.constant 0 : i32
    %dma_start3A_179 = arith.constant 0 : i32
    %dma_start3A_180 = tpu.memref_slice %arg3[%dma_start3A_178, %dma_start3A_179] : memref<100000x128xf32, #tpu.memory_space<hbm>> -> memref<100000x128xf32, #tpu.memory_space<hbm>>
    %dma_start3A_181 = tpu.memref_slice %arg14[%dma_start3A_175] : memref<5x!tpu.dma_semaphore, #tpu.memory_space<semaphore_mem>> -> memref<1x!tpu.dma_semaphore, #tpu.memory_space<semaphore_mem>>
    %dma_start3A_182 = tpu.memref_squeeze %dma_start3A_181 : memref<1x!tpu.dma_semaphore, #tpu.memory_space<semaphore_mem>> -> memref<!tpu.dma_semaphore, #tpu.memory_space<semaphore_mem>>
    tpu.enqueue_indirect_dma source(%dma_start3A_180 : memref<100000x128xf32, #tpu.memory_space<hbm>>) target(%arg10 : memref<128x128xf32, #tpu.memory_space<vmem>>) offsets(%dma_start3A_177 : memref<128xi32, #tpu.memory_space<vmem>>) semaphore(%dma_start3A_182 : memref<!tpu.dma_semaphore, #tpu.memory_space<semaphore_mem>>) {add = true}
    %dma_wait3A_183 = arith.constant 1 : i32
    %dma_wait3A_184 = arith.constant 128 : i32
    %dma_wait3A_185 = tpu.memref_slice %arg6[%dma_wait3A_184] : memref<1024xi32, #tpu.memory_space<vmem>> -> memref<128xi32, #tpu.memory_space<vmem>>
    %dma_wait3A_186 = arith.constant 0 : i32
    %dma_wait3A_187 = arith.constant 0 : i32
    %dma_wait3A_188 = tpu.memref_slice %arg3[%dma_wait3A_186, %dma_wait3A_187] : memref<100000x128xf32, #tpu.memory_space<hbm>> -> memref<100000x128xf32, #tpu.memory_space<hbm>>
    %dma_wait3A_189 = tpu.memref_slice %arg14[%dma_wait3A_183] : memref<5x!tpu.dma_semaphore, #tpu.memory_space<semaphore_mem>> -> memref<1x!tpu.dma_semaphore, #tpu.memory_space<semaphore_mem>>
    %dma_wait3A_190 = tpu.memref_squeeze %dma_wait3A_189 : memref<1x!tpu.dma_semaphore, #tpu.memory_space<semaphore_mem>> -> memref<!tpu.dma_semaphore, #tpu.memory_space<semaphore_mem>>
    tpu.wait_indirect_dma semaphore(%dma_wait3A_190 : memref<!tpu.dma_semaphore, #tpu.memory_space<semaphore_mem>>) src(%dma_wait3A_188 : memref<100000x128xf32, #tpu.memory_space<hbm>>) dst(%arg8 : memref<128x128xf32, #tpu.memory_space<vmem>>)
    %add3A_191 = arith.constant 128 : i32
    %add3A_192 = arith.addi %multiple_of3A, %add3A_191 : i32
    %dma_start3A_193 = arith.constant 1 : i32
    %dma_start3A_194 = arith.constant 0 : i32
    %dma_start3A_195 = tpu.memref_slice %arg5[%add3A_192, %dma_start3A_194] : memref<32768x128xf32, #tpu.memory_space<hbm>> -> memref<128x128xf32, #tpu.memory_space<hbm>>
    %dma_start3A_196 = tpu.memref_slice %arg15[%dma_start3A_193] : memref<5x!tpu.dma_semaphore, #tpu.memory_space<semaphore_mem>> -> memref<1x!tpu.dma_semaphore, #tpu.memory_space<semaphore_mem>>
    %dma_start3A_197 = tpu.memref_squeeze %dma_start3A_196 : memref<1x!tpu.dma_semaphore, #tpu.memory_space<semaphore_mem>> -> memref<!tpu.dma_semaphore, #tpu.memory_space<semaphore_mem>>
    %dma_start3A_198 = arith.constant 0 : i32
    %dma_start3A_199 = tpu.memref_slice %arg5[%add3A_192, %dma_start3A_198] : memref<32768x128xf32, #tpu.memory_space<hbm>> -> memref<128x128xf32, #tpu.memory_space<hbm>>
    tpu.enqueue_dma source(%arg8 : memref<128x128xf32, #tpu.memory_space<vmem>>) target(%dma_start3A_199 : memref<128x128xf32, #tpu.memory_space<hbm>>) target_semaphore(%dma_start3A_197 : memref<!tpu.dma_semaphore, #tpu.memory_space<semaphore_mem>>)
    %dma_wait3A_200 = arith.constant 0 : i32
    %dma_wait3A_201 = arith.constant 0 : i32
    %dma_wait3A_202 = tpu.memref_slice %arg5[%add3A_160, %dma_wait3A_201] : memref<32768x128xf32, #tpu.memory_space<hbm>> -> memref<128x128xf32, #tpu.memory_space<hbm>>
    %dma_wait3A_203 = tpu.memref_slice %arg15[%dma_wait3A_200] : memref<5x!tpu.dma_semaphore, #tpu.memory_space<semaphore_mem>> -> memref<1x!tpu.dma_semaphore, #tpu.memory_space<semaphore_mem>>
    %dma_wait3A_204 = tpu.memref_squeeze %dma_wait3A_203 : memref<1x!tpu.dma_semaphore, #tpu.memory_space<semaphore_mem>> -> memref<!tpu.dma_semaphore, #tpu.memory_space<semaphore_mem>>
    %dma_wait3A_205 = arith.constant 0 : i32
    %dma_wait3A_206 = tpu.memref_slice %arg5[%add3A_160, %dma_wait3A_205] : memref<32768x128xf32, #tpu.memory_space<hbm>> -> memref<128x128xf32, #tpu.memory_space<hbm>>
    tpu.wait_dma2 semaphore(%dma_wait3A_204 : memref<!tpu.dma_semaphore, #tpu.memory_space<semaphore_mem>>) src(%arg7 : memref<128x128xf32, #tpu.memory_space<vmem>>) dst(%dma_wait3A_206 : memref<128x128xf32, #tpu.memory_space<hbm>>)
    %add3A_207 = arith.constant 640 : i32
    %add3A_208 = arith.addi %multiple_of3A_50, %add3A_207 : i32
    %dma_start3A_209 = arith.constant 0 : i32
    %dma_start3A_210 = arith.constant 0 : i32
    %dma_start3A_211 = tpu.memref_slice %arg12[%add3A_208, %dma_start3A_210] : memref<4096x128xf32, #tpu.memory_space<vmem_shared>> -> memref<128x128xf32, #tpu.memory_space<vmem_shared>>
    %dma_start3A_212 = tpu.memref_slice %arg13[%dma_start3A_209] : memref<5x!tpu.dma_semaphore, #tpu.memory_space<semaphore_mem>> -> memref<1x!tpu.dma_semaphore, #tpu.memory_space<semaphore_mem>>
    %dma_start3A_213 = tpu.memref_squeeze %dma_start3A_212 : memref<1x!tpu.dma_semaphore, #tpu.memory_space<semaphore_mem>> -> memref<!tpu.dma_semaphore, #tpu.memory_space<semaphore_mem>>
    %dma_start3A_214 = arith.constant 0 : i32
    %dma_start3A_215 = tpu.memref_slice %arg12[%add3A_208, %dma_start3A_214] : memref<4096x128xf32, #tpu.memory_space<vmem_shared>> -> memref<128x128xf32, #tpu.memory_space<vmem_shared>>
    tpu.enqueue_dma source(%dma_start3A_215 : memref<128x128xf32, #tpu.memory_space<vmem_shared>>) target(%arg7 : memref<128x128xf32, #tpu.memory_space<vmem>>) target_semaphore(%dma_start3A_213 : memref<!tpu.dma_semaphore, #tpu.memory_space<semaphore_mem>>)
    %dma_wait3A_216 = arith.constant 4 : i32
    %dma_wait3A_217 = arith.constant 0 : i32
    %dma_wait3A_218 = tpu.memref_slice %arg12[%add3A_99, %dma_wait3A_217] : memref<4096x128xf32, #tpu.memory_space<vmem_shared>> -> memref<128x128xf32, #tpu.memory_space<vmem_shared>>
    %dma_wait3A_219 = tpu.memref_slice %arg13[%dma_wait3A_216] : memref<5x!tpu.dma_semaphore, #tpu.memory_space<semaphore_mem>> -> memref<1x!tpu.dma_semaphore, #tpu.memory_space<semaphore_mem>>
    %dma_wait3A_220 = tpu.memref_squeeze %dma_wait3A_219 : memref<1x!tpu.dma_semaphore, #tpu.memory_space<semaphore_mem>> -> memref<!tpu.dma_semaphore, #tpu.memory_space<semaphore_mem>>
    %dma_wait3A_221 = arith.constant 0 : i32
    %dma_wait3A_222 = tpu.memref_slice %arg12[%add3A_99, %dma_wait3A_221] : memref<4096x128xf32, #tpu.memory_space<vmem_shared>> -> memref<128x128xf32, #tpu.memory_space<vmem_shared>>
    tpu.wait_dma2 semaphore(%dma_wait3A_220 : memref<!tpu.dma_semaphore, #tpu.memory_space<semaphore_mem>>) src(%dma_wait3A_222 : memref<128x128xf32, #tpu.memory_space<vmem_shared>>) dst(%arg11 : memref<128x128xf32, #tpu.memory_space<vmem>>)
    %dma_start3A_223 = arith.constant 4 : i32
    %dma_start3A_224 = arith.constant 512 : i32
    %dma_start3A_225 = tpu.memref_slice %arg6[%dma_start3A_224] : memref<1024xi32, #tpu.memory_space<vmem>> -> memref<128xi32, #tpu.memory_space<vmem>>
    %dma_start3A_226 = arith.constant 0 : i32
    %dma_start3A_227 = arith.constant 0 : i32
    %dma_start3A_228 = tpu.memref_slice %arg3[%dma_start3A_226, %dma_start3A_227] : memref<100000x128xf32, #tpu.memory_space<hbm>> -> memref<100000x128xf32, #tpu.memory_space<hbm>>
    %dma_start3A_229 = tpu.memref_slice %arg14[%dma_start3A_223] : memref<5x!tpu.dma_semaphore, #tpu.memory_space<semaphore_mem>> -> memref<1x!tpu.dma_semaphore, #tpu.memory_space<semaphore_mem>>
    %dma_start3A_230 = tpu.memref_squeeze %dma_start3A_229 : memref<1x!tpu.dma_semaphore, #tpu.memory_space<semaphore_mem>> -> memref<!tpu.dma_semaphore, #tpu.memory_space<semaphore_mem>>
    tpu.enqueue_indirect_dma source(%dma_start3A_228 : memref<100000x128xf32, #tpu.memory_space<hbm>>) target(%arg11 : memref<128x128xf32, #tpu.memory_space<vmem>>) offsets(%dma_start3A_225 : memref<128xi32, #tpu.memory_space<vmem>>) semaphore(%dma_start3A_230 : memref<!tpu.dma_semaphore, #tpu.memory_space<semaphore_mem>>) {add = true}
    %dma_wait3A_231 = arith.constant 2 : i32
    %dma_wait3A_232 = arith.constant 256 : i32
    %dma_wait3A_233 = tpu.memref_slice %arg6[%dma_wait3A_232] : memref<1024xi32, #tpu.memory_space<vmem>> -> memref<128xi32, #tpu.memory_space<vmem>>
    %dma_wait3A_234 = arith.constant 0 : i32
    %dma_wait3A_235 = arith.constant 0 : i32
    %dma_wait3A_236 = tpu.memref_slice %arg3[%dma_wait3A_234, %dma_wait3A_235] : memref<100000x128xf32, #tpu.memory_space<hbm>> -> memref<100000x128xf32, #tpu.memory_space<hbm>>
    %dma_wait3A_237 = tpu.memref_slice %arg14[%dma_wait3A_231] : memref<5x!tpu.dma_semaphore, #tpu.memory_space<semaphore_mem>> -> memref<1x!tpu.dma_semaphore, #tpu.memory_space<semaphore_mem>>
    %dma_wait3A_238 = tpu.memref_squeeze %dma_wait3A_237 : memref<1x!tpu.dma_semaphore, #tpu.memory_space<semaphore_mem>> -> memref<!tpu.dma_semaphore, #tpu.memory_space<semaphore_mem>>
    tpu.wait_indirect_dma semaphore(%dma_wait3A_238 : memref<!tpu.dma_semaphore, #tpu.memory_space<semaphore_mem>>) src(%dma_wait3A_236 : memref<100000x128xf32, #tpu.memory_space<hbm>>) dst(%arg9 : memref<128x128xf32, #tpu.memory_space<vmem>>)
    %add3A_239 = arith.constant 256 : i32
    %add3A_240 = arith.addi %multiple_of3A, %add3A_239 : i32
    %dma_start3A_241 = arith.constant 2 : i32
    %dma_start3A_242 = arith.constant 0 : i32
    %dma_start3A_243 = tpu.memref_slice %arg5[%add3A_240, %dma_start3A_242] : memref<32768x128xf32, #tpu.memory_space<hbm>> -> memref<128x128xf32, #tpu.memory_space<hbm>>
    %dma_start3A_244 = tpu.memref_slice %arg15[%dma_start3A_241] : memref<5x!tpu.dma_semaphore, #tpu.memory_space<semaphore_mem>> -> memref<1x!tpu.dma_semaphore, #tpu.memory_space<semaphore_mem>>
    %dma_start3A_245 = tpu.memref_squeeze %dma_start3A_244 : memref<1x!tpu.dma_semaphore, #tpu.memory_space<semaphore_mem>> -> memref<!tpu.dma_semaphore, #tpu.memory_space<semaphore_mem>>
    %dma_start3A_246 = arith.constant 0 : i32
    %dma_start3A_247 = tpu.memref_slice %arg5[%add3A_240, %dma_start3A_246] : memref<32768x128xf32, #tpu.memory_space<hbm>> -> memref<128x128xf32, #tpu.memory_space<hbm>>
    tpu.enqueue_dma source(%arg9 : memref<128x128xf32, #tpu.memory_space<vmem>>) target(%dma_start3A_247 : memref<128x128xf32, #tpu.memory_space<hbm>>) target_semaphore(%dma_start3A_245 : memref<!tpu.dma_semaphore, #tpu.memory_space<semaphore_mem>>)
    %dma_wait3A_248 = arith.constant 1 : i32
    %dma_wait3A_249 = arith.constant 0 : i32
    %dma_wait3A_250 = tpu.memref_slice %arg5[%add3A_192, %dma_wait3A_249] : memref<32768x128xf32, #tpu.memory_space<hbm>> -> memref<128x128xf32, #tpu.memory_space<hbm>>
    %dma_wait3A_251 = tpu.memref_slice %arg15[%dma_wait3A_248] : memref<5x!tpu.dma_semaphore, #tpu.memory_space<semaphore_mem>> -> memref<1x!tpu.dma_semaphore, #tpu.memory_space<semaphore_mem>>
    %dma_wait3A_252 = tpu.memref_squeeze %dma_wait3A_251 : memref<1x!tpu.dma_semaphore, #tpu.memory_space<semaphore_mem>> -> memref<!tpu.dma_semaphore, #tpu.memory_space<semaphore_mem>>
    %dma_wait3A_253 = arith.constant 0 : i32
    %dma_wait3A_254 = tpu.memref_slice %arg5[%add3A_192, %dma_wait3A_253] : memref<32768x128xf32, #tpu.memory_space<hbm>> -> memref<128x128xf32, #tpu.memory_space<hbm>>
    tpu.wait_dma2 semaphore(%dma_wait3A_252 : memref<!tpu.dma_semaphore, #tpu.memory_space<semaphore_mem>>) src(%arg8 : memref<128x128xf32, #tpu.memory_space<vmem>>) dst(%dma_wait3A_254 : memref<128x128xf32, #tpu.memory_space<hbm>>)
    %add3A_255 = arith.constant 768 : i32
    %add3A_256 = arith.addi %multiple_of3A_50, %add3A_255 : i32
    %dma_start3A_257 = arith.constant 1 : i32
    %dma_start3A_258 = arith.constant 0 : i32
    %dma_start3A_259 = tpu.memref_slice %arg12[%add3A_256, %dma_start3A_258] : memref<4096x128xf32, #tpu.memory_space<vmem_shared>> -> memref<128x128xf32, #tpu.memory_space<vmem_shared>>
    %dma_start3A_260 = tpu.memref_slice %arg13[%dma_start3A_257] : memref<5x!tpu.dma_semaphore, #tpu.memory_space<semaphore_mem>> -> memref<1x!tpu.dma_semaphore, #tpu.memory_space<semaphore_mem>>
    %dma_start3A_261 = tpu.memref_squeeze %dma_start3A_260 : memref<1x!tpu.dma_semaphore, #tpu.memory_space<semaphore_mem>> -> memref<!tpu.dma_semaphore, #tpu.memory_space<semaphore_mem>>
    %dma_start3A_262 = arith.constant 0 : i32
    %dma_start3A_263 = tpu.memref_slice %arg12[%add3A_256, %dma_start3A_262] : memref<4096x128xf32, #tpu.memory_space<vmem_shared>> -> memref<128x128xf32, #tpu.memory_space<vmem_shared>>
    tpu.enqueue_dma source(%dma_start3A_263 : memref<128x128xf32, #tpu.memory_space<vmem_shared>>) target(%arg8 : memref<128x128xf32, #tpu.memory_space<vmem>>) target_semaphore(%dma_start3A_261 : memref<!tpu.dma_semaphore, #tpu.memory_space<semaphore_mem>>)
    %dma_wait3A_264 = arith.constant 0 : i32
    %dma_wait3A_265 = arith.constant 0 : i32
    %dma_wait3A_266 = tpu.memref_slice %arg12[%add3A_208, %dma_wait3A_265] : memref<4096x128xf32, #tpu.memory_space<vmem_shared>> -> memref<128x128xf32, #tpu.memory_space<vmem_shared>>
    %dma_wait3A_267 = tpu.memref_slice %arg13[%dma_wait3A_264] : memref<5x!tpu.dma_semaphore, #tpu.memory_space<semaphore_mem>> -> memref<1x!tpu.dma_semaphore, #tpu.memory_space<semaphore_mem>>
    %dma_wait3A_268 = tpu.memref_squeeze %dma_wait3A_267 : memref<1x!tpu.dma_semaphore, #tpu.memory_space<semaphore_mem>> -> memref<!tpu.dma_semaphore, #tpu.memory_space<semaphore_mem>>
    %dma_wait3A_269 = arith.constant 0 : i32
    %dma_wait3A_270 = tpu.memref_slice %arg12[%add3A_208, %dma_wait3A_269] : memref<4096x128xf32, #tpu.memory_space<vmem_shared>> -> memref<128x128xf32, #tpu.memory_space<vmem_shared>>
    tpu.wait_dma2 semaphore(%dma_wait3A_268 : memref<!tpu.dma_semaphore, #tpu.memory_space<semaphore_mem>>) src(%dma_wait3A_270 : memref<128x128xf32, #tpu.memory_space<vmem_shared>>) dst(%arg7 : memref<128x128xf32, #tpu.memory_space<vmem>>)
    %dma_start3A_271 = arith.constant 0 : i32
    %dma_start3A_272 = arith.constant 640 : i32
    %dma_start3A_273 = tpu.memref_slice %arg6[%dma_start3A_272] : memref<1024xi32, #tpu.memory_space<vmem>> -> memref<128xi32, #tpu.memory_space<vmem>>
    %dma_start3A_274 = arith.constant 0 : i32
    %dma_start3A_275 = arith.constant 0 : i32
    %dma_start3A_276 = tpu.memref_slice %arg3[%dma_start3A_274, %dma_start3A_275] : memref<100000x128xf32, #tpu.memory_space<hbm>> -> memref<100000x128xf32, #tpu.memory_space<hbm>>
    %dma_start3A_277 = tpu.memref_slice %arg14[%dma_start3A_271] : memref<5x!tpu.dma_semaphore, #tpu.memory_space<semaphore_mem>> -> memref<1x!tpu.dma_semaphore, #tpu.memory_space<semaphore_mem>>
    %dma_start3A_278 = tpu.memref_squeeze %dma_start3A_277 : memref<1x!tpu.dma_semaphore, #tpu.memory_space<semaphore_mem>> -> memref<!tpu.dma_semaphore, #tpu.memory_space<semaphore_mem>>
    tpu.enqueue_indirect_dma source(%dma_start3A_276 : memref<100000x128xf32, #tpu.memory_space<hbm>>) target(%arg7 : memref<128x128xf32, #tpu.memory_space<vmem>>) offsets(%dma_start3A_273 : memref<128xi32, #tpu.memory_space<vmem>>) semaphore(%dma_start3A_278 : memref<!tpu.dma_semaphore, #tpu.memory_space<semaphore_mem>>) {add = true}
    %dma_wait3A_279 = arith.constant 3 : i32
    %dma_wait3A_280 = arith.constant 384 : i32
    %dma_wait3A_281 = tpu.memref_slice %arg6[%dma_wait3A_280] : memref<1024xi32, #tpu.memory_space<vmem>> -> memref<128xi32, #tpu.memory_space<vmem>>
    %dma_wait3A_282 = arith.constant 0 : i32
    %dma_wait3A_283 = arith.constant 0 : i32
    %dma_wait3A_284 = tpu.memref_slice %arg3[%dma_wait3A_282, %dma_wait3A_283] : memref<100000x128xf32, #tpu.memory_space<hbm>> -> memref<100000x128xf32, #tpu.memory_space<hbm>>
    %dma_wait3A_285 = tpu.memref_slice %arg14[%dma_wait3A_279] : memref<5x!tpu.dma_semaphore, #tpu.memory_space<semaphore_mem>> -> memref<1x!tpu.dma_semaphore, #tpu.memory_space<semaphore_mem>>
    %dma_wait3A_286 = tpu.memref_squeeze %dma_wait3A_285 : memref<1x!tpu.dma_semaphore, #tpu.memory_space<semaphore_mem>> -> memref<!tpu.dma_semaphore, #tpu.memory_space<semaphore_mem>>
    tpu.wait_indirect_dma semaphore(%dma_wait3A_286 : memref<!tpu.dma_semaphore, #tpu.memory_space<semaphore_mem>>) src(%dma_wait3A_284 : memref<100000x128xf32, #tpu.memory_space<hbm>>) dst(%arg10 : memref<128x128xf32, #tpu.memory_space<vmem>>)
    %add3A_287 = arith.constant 384 : i32
    %add3A_288 = arith.addi %multiple_of3A, %add3A_287 : i32
    %dma_start3A_289 = arith.constant 3 : i32
    %dma_start3A_290 = arith.constant 0 : i32
    %dma_start3A_291 = tpu.memref_slice %arg5[%add3A_288, %dma_start3A_290] : memref<32768x128xf32, #tpu.memory_space<hbm>> -> memref<128x128xf32, #tpu.memory_space<hbm>>
    %dma_start3A_292 = tpu.memref_slice %arg15[%dma_start3A_289] : memref<5x!tpu.dma_semaphore, #tpu.memory_space<semaphore_mem>> -> memref<1x!tpu.dma_semaphore, #tpu.memory_space<semaphore_mem>>
    %dma_start3A_293 = tpu.memref_squeeze %dma_start3A_292 : memref<1x!tpu.dma_semaphore, #tpu.memory_space<semaphore_mem>> -> memref<!tpu.dma_semaphore, #tpu.memory_space<semaphore_mem>>
    %dma_start3A_294 = arith.constant 0 : i32
    %dma_start3A_295 = tpu.memref_slice %arg5[%add3A_288, %dma_start3A_294] : memref<32768x128xf32, #tpu.memory_space<hbm>> -> memref<128x128xf32, #tpu.memory_space<hbm>>
    tpu.enqueue_dma source(%arg10 : memref<128x128xf32, #tpu.memory_space<vmem>>) target(%dma_start3A_295 : memref<128x128xf32, #tpu.memory_space<hbm>>) target_semaphore(%dma_start3A_293 : memref<!tpu.dma_semaphore, #tpu.memory_space<semaphore_mem>>)
    %dma_wait3A_296 = arith.constant 2 : i32
    %dma_wait3A_297 = arith.constant 0 : i32
    %dma_wait3A_298 = tpu.memref_slice %arg5[%add3A_240, %dma_wait3A_297] : memref<32768x128xf32, #tpu.memory_space<hbm>> -> memref<128x128xf32, #tpu.memory_space<hbm>>
    %dma_wait3A_299 = tpu.memref_slice %arg15[%dma_wait3A_296] : memref<5x!tpu.dma_semaphore, #tpu.memory_space<semaphore_mem>> -> memref<1x!tpu.dma_semaphore, #tpu.memory_space<semaphore_mem>>
    %dma_wait3A_300 = tpu.memref_squeeze %dma_wait3A_299 : memref<1x!tpu.dma_semaphore, #tpu.memory_space<semaphore_mem>> -> memref<!tpu.dma_semaphore, #tpu.memory_space<semaphore_mem>>
    %dma_wait3A_301 = arith.constant 0 : i32
    %dma_wait3A_302 = tpu.memref_slice %arg5[%add3A_240, %dma_wait3A_301] : memref<32768x128xf32, #tpu.memory_space<hbm>> -> memref<128x128xf32, #tpu.memory_space<hbm>>
    tpu.wait_dma2 semaphore(%dma_wait3A_300 : memref<!tpu.dma_semaphore, #tpu.memory_space<semaphore_mem>>) src(%arg9 : memref<128x128xf32, #tpu.memory_space<vmem>>) dst(%dma_wait3A_302 : memref<128x128xf32, #tpu.memory_space<hbm>>)
    %add3A_303 = arith.constant 896 : i32
    %add3A_304 = arith.addi %multiple_of3A_50, %add3A_303 : i32
    %dma_start3A_305 = arith.constant 2 : i32
    %dma_start3A_306 = arith.constant 0 : i32
    %dma_start3A_307 = tpu.memref_slice %arg12[%add3A_304, %dma_start3A_306] : memref<4096x128xf32, #tpu.memory_space<vmem_shared>> -> memref<128x128xf32, #tpu.memory_space<vmem_shared>>
    %dma_start3A_308 = tpu.memref_slice %arg13[%dma_start3A_305] : memref<5x!tpu.dma_semaphore, #tpu.memory_space<semaphore_mem>> -> memref<1x!tpu.dma_semaphore, #tpu.memory_space<semaphore_mem>>
    %dma_start3A_309 = tpu.memref_squeeze %dma_start3A_308 : memref<1x!tpu.dma_semaphore, #tpu.memory_space<semaphore_mem>> -> memref<!tpu.dma_semaphore, #tpu.memory_space<semaphore_mem>>
    %dma_start3A_310 = arith.constant 0 : i32
    %dma_start3A_311 = tpu.memref_slice %arg12[%add3A_304, %dma_start3A_310] : memref<4096x128xf32, #tpu.memory_space<vmem_shared>> -> memref<128x128xf32, #tpu.memory_space<vmem_shared>>
    tpu.enqueue_dma source(%dma_start3A_311 : memref<128x128xf32, #tpu.memory_space<vmem_shared>>) target(%arg9 : memref<128x128xf32, #tpu.memory_space<vmem>>) target_semaphore(%dma_start3A_309 : memref<!tpu.dma_semaphore, #tpu.memory_space<semaphore_mem>>)
    %dma_wait3A_312 = arith.constant 1 : i32
    %dma_wait3A_313 = arith.constant 0 : i32
    %dma_wait3A_314 = tpu.memref_slice %arg12[%add3A_256, %dma_wait3A_313] : memref<4096x128xf32, #tpu.memory_space<vmem_shared>> -> memref<128x128xf32, #tpu.memory_space<vmem_shared>>
    %dma_wait3A_315 = tpu.memref_slice %arg13[%dma_wait3A_312] : memref<5x!tpu.dma_semaphore, #tpu.memory_space<semaphore_mem>> -> memref<1x!tpu.dma_semaphore, #tpu.memory_space<semaphore_mem>>
    %dma_wait3A_316 = tpu.memref_squeeze %dma_wait3A_315 : memref<1x!tpu.dma_semaphore, #tpu.memory_space<semaphore_mem>> -> memref<!tpu.dma_semaphore, #tpu.memory_space<semaphore_mem>>
    %dma_wait3A_317 = arith.constant 0 : i32
    %dma_wait3A_318 = tpu.memref_slice %arg12[%add3A_256, %dma_wait3A_317] : memref<4096x128xf32, #tpu.memory_space<vmem_shared>> -> memref<128x128xf32, #tpu.memory_space<vmem_shared>>
    tpu.wait_dma2 semaphore(%dma_wait3A_316 : memref<!tpu.dma_semaphore, #tpu.memory_space<semaphore_mem>>) src(%dma_wait3A_318 : memref<128x128xf32, #tpu.memory_space<vmem_shared>>) dst(%arg8 : memref<128x128xf32, #tpu.memory_space<vmem>>)
    %dma_start3A_319 = arith.constant 1 : i32
    %dma_start3A_320 = arith.constant 768 : i32
    %dma_start3A_321 = tpu.memref_slice %arg6[%dma_start3A_320] : memref<1024xi32, #tpu.memory_space<vmem>> -> memref<128xi32, #tpu.memory_space<vmem>>
    %dma_start3A_322 = arith.constant 0 : i32
    %dma_start3A_323 = arith.constant 0 : i32
    %dma_start3A_324 = tpu.memref_slice %arg3[%dma_start3A_322, %dma_start3A_323] : memref<100000x128xf32, #tpu.memory_space<hbm>> -> memref<100000x128xf32, #tpu.memory_space<hbm>>
    %dma_start3A_325 = tpu.memref_slice %arg14[%dma_start3A_319] : memref<5x!tpu.dma_semaphore, #tpu.memory_space<semaphore_mem>> -> memref<1x!tpu.dma_semaphore, #tpu.memory_space<semaphore_mem>>
    %dma_start3A_326 = tpu.memref_squeeze %dma_start3A_325 : memref<1x!tpu.dma_semaphore, #tpu.memory_space<semaphore_mem>> -> memref<!tpu.dma_semaphore, #tpu.memory_space<semaphore_mem>>
    tpu.enqueue_indirect_dma source(%dma_start3A_324 : memref<100000x128xf32, #tpu.memory_space<hbm>>) target(%arg8 : memref<128x128xf32, #tpu.memory_space<vmem>>) offsets(%dma_start3A_321 : memref<128xi32, #tpu.memory_space<vmem>>) semaphore(%dma_start3A_326 : memref<!tpu.dma_semaphore, #tpu.memory_space<semaphore_mem>>) {add = true}
    %dma_wait3A_327 = arith.constant 4 : i32
    %dma_wait3A_328 = arith.constant 512 : i32
    %dma_wait3A_329 = tpu.memref_slice %arg6[%dma_wait3A_328] : memref<1024xi32, #tpu.memory_space<vmem>> -> memref<128xi32, #tpu.memory_space<vmem>>
    %dma_wait3A_330 = arith.constant 0 : i32
    %dma_wait3A_331 = arith.constant 0 : i32
    %dma_wait3A_332 = tpu.memref_slice %arg3[%dma_wait3A_330, %dma_wait3A_331] : memref<100000x128xf32, #tpu.memory_space<hbm>> -> memref<100000x128xf32, #tpu.memory_space<hbm>>
    %dma_wait3A_333 = tpu.memref_slice %arg14[%dma_wait3A_327] : memref<5x!tpu.dma_semaphore, #tpu.memory_space<semaphore_mem>> -> memref<1x!tpu.dma_semaphore, #tpu.memory_space<semaphore_mem>>
    %dma_wait3A_334 = tpu.memref_squeeze %dma_wait3A_333 : memref<1x!tpu.dma_semaphore, #tpu.memory_space<semaphore_mem>> -> memref<!tpu.dma_semaphore, #tpu.memory_space<semaphore_mem>>
    tpu.wait_indirect_dma semaphore(%dma_wait3A_334 : memref<!tpu.dma_semaphore, #tpu.memory_space<semaphore_mem>>) src(%dma_wait3A_332 : memref<100000x128xf32, #tpu.memory_space<hbm>>) dst(%arg11 : memref<128x128xf32, #tpu.memory_space<vmem>>)
    %add3A_335 = arith.constant 512 : i32
    %add3A_336 = arith.addi %multiple_of3A, %add3A_335 : i32
    %dma_start3A_337 = arith.constant 4 : i32
    %dma_start3A_338 = arith.constant 0 : i32
    %dma_start3A_339 = tpu.memref_slice %arg5[%add3A_336, %dma_start3A_338] : memref<32768x128xf32, #tpu.memory_space<hbm>> -> memref<128x128xf32, #tpu.memory_space<hbm>>
    %dma_start3A_340 = tpu.memref_slice %arg15[%dma_start3A_337] : memref<5x!tpu.dma_semaphore, #tpu.memory_space<semaphore_mem>> -> memref<1x!tpu.dma_semaphore, #tpu.memory_space<semaphore_mem>>
    %dma_start3A_341 = tpu.memref_squeeze %dma_start3A_340 : memref<1x!tpu.dma_semaphore, #tpu.memory_space<semaphore_mem>> -> memref<!tpu.dma_semaphore, #tpu.memory_space<semaphore_mem>>
    %dma_start3A_342 = arith.constant 0 : i32
    %dma_start3A_343 = tpu.memref_slice %arg5[%add3A_336, %dma_start3A_342] : memref<32768x128xf32, #tpu.memory_space<hbm>> -> memref<128x128xf32, #tpu.memory_space<hbm>>
    tpu.enqueue_dma source(%arg11 : memref<128x128xf32, #tpu.memory_space<vmem>>) target(%dma_start3A_343 : memref<128x128xf32, #tpu.memory_space<hbm>>) target_semaphore(%dma_start3A_341 : memref<!tpu.dma_semaphore, #tpu.memory_space<semaphore_mem>>)
    %dma_wait3A_344 = arith.constant 2 : i32
    %dma_wait3A_345 = arith.constant 0 : i32
    %dma_wait3A_346 = tpu.memref_slice %arg12[%add3A_304, %dma_wait3A_345] : memref<4096x128xf32, #tpu.memory_space<vmem_shared>> -> memref<128x128xf32, #tpu.memory_space<vmem_shared>>
    %dma_wait3A_347 = tpu.memref_slice %arg13[%dma_wait3A_344] : memref<5x!tpu.dma_semaphore, #tpu.memory_space<semaphore_mem>> -> memref<1x!tpu.dma_semaphore, #tpu.memory_space<semaphore_mem>>
    %dma_wait3A_348 = tpu.memref_squeeze %dma_wait3A_347 : memref<1x!tpu.dma_semaphore, #tpu.memory_space<semaphore_mem>> -> memref<!tpu.dma_semaphore, #tpu.memory_space<semaphore_mem>>
    %dma_wait3A_349 = arith.constant 0 : i32
    %dma_wait3A_350 = tpu.memref_slice %arg12[%add3A_304, %dma_wait3A_349] : memref<4096x128xf32, #tpu.memory_space<vmem_shared>> -> memref<128x128xf32, #tpu.memory_space<vmem_shared>>
    tpu.wait_dma2 semaphore(%dma_wait3A_348 : memref<!tpu.dma_semaphore, #tpu.memory_space<semaphore_mem>>) src(%dma_wait3A_350 : memref<128x128xf32, #tpu.memory_space<vmem_shared>>) dst(%arg9 : memref<128x128xf32, #tpu.memory_space<vmem>>)
    %dma_start3A_351 = arith.constant 2 : i32
    %dma_start3A_352 = arith.constant 896 : i32
    %dma_start3A_353 = tpu.memref_slice %arg6[%dma_start3A_352] : memref<1024xi32, #tpu.memory_space<vmem>> -> memref<128xi32, #tpu.memory_space<vmem>>
    %dma_start3A_354 = arith.constant 0 : i32
    %dma_start3A_355 = arith.constant 0 : i32
    %dma_start3A_356 = tpu.memref_slice %arg3[%dma_start3A_354, %dma_start3A_355] : memref<100000x128xf32, #tpu.memory_space<hbm>> -> memref<100000x128xf32, #tpu.memory_space<hbm>>
    %dma_start3A_357 = tpu.memref_slice %arg14[%dma_start3A_351] : memref<5x!tpu.dma_semaphore, #tpu.memory_space<semaphore_mem>> -> memref<1x!tpu.dma_semaphore, #tpu.memory_space<semaphore_mem>>
    %dma_start3A_358 = tpu.memref_squeeze %dma_start3A_357 : memref<1x!tpu.dma_semaphore, #tpu.memory_space<semaphore_mem>> -> memref<!tpu.dma_semaphore, #tpu.memory_space<semaphore_mem>>
    tpu.enqueue_indirect_dma source(%dma_start3A_356 : memref<100000x128xf32, #tpu.memory_space<hbm>>) target(%arg9 : memref<128x128xf32, #tpu.memory_space<vmem>>) offsets(%dma_start3A_353 : memref<128xi32, #tpu.memory_space<vmem>>) semaphore(%dma_start3A_358 : memref<!tpu.dma_semaphore, #tpu.memory_space<semaphore_mem>>) {add = true}
    %dma_wait3A_359 = arith.constant 0 : i32
    %dma_wait3A_360 = arith.constant 640 : i32
    %dma_wait3A_361 = tpu.memref_slice %arg6[%dma_wait3A_360] : memref<1024xi32, #tpu.memory_space<vmem>> -> memref<128xi32, #tpu.memory_space<vmem>>
    %dma_wait3A_362 = arith.constant 0 : i32
    %dma_wait3A_363 = arith.constant 0 : i32
    %dma_wait3A_364 = tpu.memref_slice %arg3[%dma_wait3A_362, %dma_wait3A_363] : memref<100000x128xf32, #tpu.memory_space<hbm>> -> memref<100000x128xf32, #tpu.memory_space<hbm>>
    %dma_wait3A_365 = tpu.memref_slice %arg14[%dma_wait3A_359] : memref<5x!tpu.dma_semaphore, #tpu.memory_space<semaphore_mem>> -> memref<1x!tpu.dma_semaphore, #tpu.memory_space<semaphore_mem>>
    %dma_wait3A_366 = tpu.memref_squeeze %dma_wait3A_365 : memref<1x!tpu.dma_semaphore, #tpu.memory_space<semaphore_mem>> -> memref<!tpu.dma_semaphore, #tpu.memory_space<semaphore_mem>>
    tpu.wait_indirect_dma semaphore(%dma_wait3A_366 : memref<!tpu.dma_semaphore, #tpu.memory_space<semaphore_mem>>) src(%dma_wait3A_364 : memref<100000x128xf32, #tpu.memory_space<hbm>>) dst(%arg7 : memref<128x128xf32, #tpu.memory_space<vmem>>)
    %add3A_367 = arith.constant 640 : i32
    %add3A_368 = arith.addi %multiple_of3A, %add3A_367 : i32
    %dma_start3A_369 = arith.constant 0 : i32
    %dma_start3A_370 = arith.constant 0 : i32
    %dma_start3A_371 = tpu.memref_slice %arg5[%add3A_368, %dma_start3A_370] : memref<32768x128xf32, #tpu.memory_space<hbm>> -> memref<128x128xf32, #tpu.memory_space<hbm>>
    %dma_start3A_372 = tpu.memref_slice %arg15[%dma_start3A_369] : memref<5x!tpu.dma_semaphore, #tpu.memory_space<semaphore_mem>> -> memref<1x!tpu.dma_semaphore, #tpu.memory_space<semaphore_mem>>
    %dma_start3A_373 = tpu.memref_squeeze %dma_start3A_372 : memref<1x!tpu.dma_semaphore, #tpu.memory_space<semaphore_mem>> -> memref<!tpu.dma_semaphore, #tpu.memory_space<semaphore_mem>>
    %dma_start3A_374 = arith.constant 0 : i32
    %dma_start3A_375 = tpu.memref_slice %arg5[%add3A_368, %dma_start3A_374] : memref<32768x128xf32, #tpu.memory_space<hbm>> -> memref<128x128xf32, #tpu.memory_space<hbm>>
    tpu.enqueue_dma source(%arg7 : memref<128x128xf32, #tpu.memory_space<vmem>>) target(%dma_start3A_375 : memref<128x128xf32, #tpu.memory_space<hbm>>) target_semaphore(%dma_start3A_373 : memref<!tpu.dma_semaphore, #tpu.memory_space<semaphore_mem>>)
    %dma_wait3A_376 = arith.constant 1 : i32
    %dma_wait3A_377 = arith.constant 768 : i32
    %dma_wait3A_378 = tpu.memref_slice %arg6[%dma_wait3A_377] : memref<1024xi32, #tpu.memory_space<vmem>> -> memref<128xi32, #tpu.memory_space<vmem>>
    %dma_wait3A_379 = arith.constant 0 : i32
    %dma_wait3A_380 = arith.constant 0 : i32
    %dma_wait3A_381 = tpu.memref_slice %arg3[%dma_wait3A_379, %dma_wait3A_380] : memref<100000x128xf32, #tpu.memory_space<hbm>> -> memref<100000x128xf32, #tpu.memory_space<hbm>>
    %dma_wait3A_382 = tpu.memref_slice %arg14[%dma_wait3A_376] : memref<5x!tpu.dma_semaphore, #tpu.memory_space<semaphore_mem>> -> memref<1x!tpu.dma_semaphore, #tpu.memory_space<semaphore_mem>>
    %dma_wait3A_383 = tpu.memref_squeeze %dma_wait3A_382 : memref<1x!tpu.dma_semaphore, #tpu.memory_space<semaphore_mem>> -> memref<!tpu.dma_semaphore, #tpu.memory_space<semaphore_mem>>
    tpu.wait_indirect_dma semaphore(%dma_wait3A_383 : memref<!tpu.dma_semaphore, #tpu.memory_space<semaphore_mem>>) src(%dma_wait3A_381 : memref<100000x128xf32, #tpu.memory_space<hbm>>) dst(%arg8 : memref<128x128xf32, #tpu.memory_space<vmem>>)
    %add3A_384 = arith.constant 768 : i32
    %add3A_385 = arith.addi %multiple_of3A, %add3A_384 : i32
    %dma_start3A_386 = arith.constant 1 : i32
    %dma_start3A_387 = arith.constant 0 : i32
    %dma_start3A_388 = tpu.memref_slice %arg5[%add3A_385, %dma_start3A_387] : memref<32768x128xf32, #tpu.memory_space<hbm>> -> memref<128x128xf32, #tpu.memory_space<hbm>>
    %dma_start3A_389 = tpu.memref_slice %arg15[%dma_start3A_386] : memref<5x!tpu.dma_semaphore, #tpu.memory_space<semaphore_mem>> -> memref<1x!tpu.dma_semaphore, #tpu.memory_space<semaphore_mem>>
    %dma_start3A_390 = tpu.memref_squeeze %dma_start3A_389 : memref<1x!tpu.dma_semaphore, #tpu.memory_space<semaphore_mem>> -> memref<!tpu.dma_semaphore, #tpu.memory_space<semaphore_mem>>
    %dma_start3A_391 = arith.constant 0 : i32
    %dma_start3A_392 = tpu.memref_slice %arg5[%add3A_385, %dma_start3A_391] : memref<32768x128xf32, #tpu.memory_space<hbm>> -> memref<128x128xf32, #tpu.memory_space<hbm>>
    tpu.enqueue_dma source(%arg8 : memref<128x128xf32, #tpu.memory_space<vmem>>) target(%dma_start3A_392 : memref<128x128xf32, #tpu.memory_space<hbm>>) target_semaphore(%dma_start3A_390 : memref<!tpu.dma_semaphore, #tpu.memory_space<semaphore_mem>>)
    %dma_wait3A_393 = arith.constant 2 : i32
    %dma_wait3A_394 = arith.constant 896 : i32
    %dma_wait3A_395 = tpu.memref_slice %arg6[%dma_wait3A_394] : memref<1024xi32, #tpu.memory_space<vmem>> -> memref<128xi32, #tpu.memory_space<vmem>>
    %dma_wait3A_396 = arith.constant 0 : i32
    %dma_wait3A_397 = arith.constant 0 : i32
    %dma_wait3A_398 = tpu.memref_slice %arg3[%dma_wait3A_396, %dma_wait3A_397] : memref<100000x128xf32, #tpu.memory_space<hbm>> -> memref<100000x128xf32, #tpu.memory_space<hbm>>
    %dma_wait3A_399 = tpu.memref_slice %arg14[%dma_wait3A_393] : memref<5x!tpu.dma_semaphore, #tpu.memory_space<semaphore_mem>> -> memref<1x!tpu.dma_semaphore, #tpu.memory_space<semaphore_mem>>
    %dma_wait3A_400 = tpu.memref_squeeze %dma_wait3A_399 : memref<1x!tpu.dma_semaphore, #tpu.memory_space<semaphore_mem>> -> memref<!tpu.dma_semaphore, #tpu.memory_space<semaphore_mem>>
    tpu.wait_indirect_dma semaphore(%dma_wait3A_400 : memref<!tpu.dma_semaphore, #tpu.memory_space<semaphore_mem>>) src(%dma_wait3A_398 : memref<100000x128xf32, #tpu.memory_space<hbm>>) dst(%arg9 : memref<128x128xf32, #tpu.memory_space<vmem>>)
    %add3A_401 = arith.constant 896 : i32
    %add3A_402 = arith.addi %multiple_of3A, %add3A_401 : i32
    %dma_start3A_403 = arith.constant 2 : i32
    %dma_start3A_404 = arith.constant 0 : i32
    %dma_start3A_405 = tpu.memref_slice %arg5[%add3A_402, %dma_start3A_404] : memref<32768x128xf32, #tpu.memory_space<hbm>> -> memref<128x128xf32, #tpu.memory_space<hbm>>
    %dma_start3A_406 = tpu.memref_slice %arg15[%dma_start3A_403] : memref<5x!tpu.dma_semaphore, #tpu.memory_space<semaphore_mem>> -> memref<1x!tpu.dma_semaphore, #tpu.memory_space<semaphore_mem>>
    %dma_start3A_407 = tpu.memref_squeeze %dma_start3A_406 : memref<1x!tpu.dma_semaphore, #tpu.memory_space<semaphore_mem>> -> memref<!tpu.dma_semaphore, #tpu.memory_space<semaphore_mem>>
    %dma_start3A_408 = arith.constant 0 : i32
    %dma_start3A_409 = tpu.memref_slice %arg5[%add3A_402, %dma_start3A_408] : memref<32768x128xf32, #tpu.memory_space<hbm>> -> memref<128x128xf32, #tpu.memory_space<hbm>>
    tpu.enqueue_dma source(%arg9 : memref<128x128xf32, #tpu.memory_space<vmem>>) target(%dma_start3A_409 : memref<128x128xf32, #tpu.memory_space<hbm>>) target_semaphore(%dma_start3A_407 : memref<!tpu.dma_semaphore, #tpu.memory_space<semaphore_mem>>)
    %dma_wait3A_410 = arith.constant 0 : i32
    %dma_wait3A_411 = arith.constant 0 : i32
    %dma_wait3A_412 = tpu.memref_slice %arg5[%add3A_368, %dma_wait3A_411] : memref<32768x128xf32, #tpu.memory_space<hbm>> -> memref<128x128xf32, #tpu.memory_space<hbm>>
    %dma_wait3A_413 = tpu.memref_slice %arg15[%dma_wait3A_410] : memref<5x!tpu.dma_semaphore, #tpu.memory_space<semaphore_mem>> -> memref<1x!tpu.dma_semaphore, #tpu.memory_space<semaphore_mem>>
    %dma_wait3A_414 = tpu.memref_squeeze %dma_wait3A_413 : memref<1x!tpu.dma_semaphore, #tpu.memory_space<semaphore_mem>> -> memref<!tpu.dma_semaphore, #tpu.memory_space<semaphore_mem>>
    %dma_wait3A_415 = arith.constant 0 : i32
    %dma_wait3A_416 = tpu.memref_slice %arg5[%add3A_368, %dma_wait3A_415] : memref<32768x128xf32, #tpu.memory_space<hbm>> -> memref<128x128xf32, #tpu.memory_space<hbm>>
    tpu.wait_dma2 semaphore(%dma_wait3A_414 : memref<!tpu.dma_semaphore, #tpu.memory_space<semaphore_mem>>) src(%arg7 : memref<128x128xf32, #tpu.memory_space<vmem>>) dst(%dma_wait3A_416 : memref<128x128xf32, #tpu.memory_space<hbm>>)
    %dma_wait3A_417 = arith.constant 1 : i32
    %dma_wait3A_418 = arith.constant 0 : i32
    %dma_wait3A_419 = tpu.memref_slice %arg5[%add3A_385, %dma_wait3A_418] : memref<32768x128xf32, #tpu.memory_space<hbm>> -> memref<128x128xf32, #tpu.memory_space<hbm>>
    %dma_wait3A_420 = tpu.memref_slice %arg15[%dma_wait3A_417] : memref<5x!tpu.dma_semaphore, #tpu.memory_space<semaphore_mem>> -> memref<1x!tpu.dma_semaphore, #tpu.memory_space<semaphore_mem>>
    %dma_wait3A_421 = tpu.memref_squeeze %dma_wait3A_420 : memref<1x!tpu.dma_semaphore, #tpu.memory_space<semaphore_mem>> -> memref<!tpu.dma_semaphore, #tpu.memory_space<semaphore_mem>>
    %dma_wait3A_422 = arith.constant 0 : i32
    %dma_wait3A_423 = tpu.memref_slice %arg5[%add3A_385, %dma_wait3A_422] : memref<32768x128xf32, #tpu.memory_space<hbm>> -> memref<128x128xf32, #tpu.memory_space<hbm>>
    tpu.wait_dma2 semaphore(%dma_wait3A_421 : memref<!tpu.dma_semaphore, #tpu.memory_space<semaphore_mem>>) src(%arg8 : memref<128x128xf32, #tpu.memory_space<vmem>>) dst(%dma_wait3A_423 : memref<128x128xf32, #tpu.memory_space<hbm>>)
    %dma_wait3A_424 = arith.constant 2 : i32
    %dma_wait3A_425 = arith.constant 0 : i32
    %dma_wait3A_426 = tpu.memref_slice %arg5[%add3A_402, %dma_wait3A_425] : memref<32768x128xf32, #tpu.memory_space<hbm>> -> memref<128x128xf32, #tpu.memory_space<hbm>>
    %dma_wait3A_427 = tpu.memref_slice %arg15[%dma_wait3A_424] : memref<5x!tpu.dma_semaphore, #tpu.memory_space<semaphore_mem>> -> memref<1x!tpu.dma_semaphore, #tpu.memory_space<semaphore_mem>>
    %dma_wait3A_428 = tpu.memref_squeeze %dma_wait3A_427 : memref<1x!tpu.dma_semaphore, #tpu.memory_space<semaphore_mem>> -> memref<!tpu.dma_semaphore, #tpu.memory_space<semaphore_mem>>
    %dma_wait3A_429 = arith.constant 0 : i32
    %dma_wait3A_430 = tpu.memref_slice %arg5[%add3A_402, %dma_wait3A_429] : memref<32768x128xf32, #tpu.memory_space<hbm>> -> memref<128x128xf32, #tpu.memory_space<hbm>>
    tpu.wait_dma2 semaphore(%dma_wait3A_428 : memref<!tpu.dma_semaphore, #tpu.memory_space<semaphore_mem>>) src(%arg9 : memref<128x128xf32, #tpu.memory_space<vmem>>) dst(%dma_wait3A_430 : memref<128x128xf32, #tpu.memory_space<hbm>>)
    return
  }
}

</mosaic_0001>

<sc_bundles>
// kernel: _run.3.cloned.1.call-start
scs
__scs_entry_jumppad:
0x0: {  	(pc) =	sbr.rel $0x88, $3  }
0x1: {  	(tag) =	ssettag $0x0;
	lr =	simm.s32 $0x1  }
0x2: {  	[smem:$0x3F9E] =	sst lr;
	_ =	strace $0xD0000000  }
0x3: {  	_ = 	snop  }
0x4: {  	_ = 	snop  }
0x5: {  	_ = 	snop  }
0x6: {  	_ = 	snop  }
0x7: {  	_ = 	snop  }
__scs_overlays_trampoline_lowered:
0x8: {  	[smem:$0x3FAD] =	sst s0  }
0x9: {  	[smem:$0x3FAE] =	sst s1  }
0xa: {  	[smem:$0x3FAF] =	sst s2  }
0xb: {  	[smem:$0x3FB0] =	sst s3  }
0xc: {  	[smem:$0x3FB1] =	sst s4  }
0xd: {  	[smem:$0x3FB2] =	sst s5  }
0xe: {  	[smem:$0x3FB3] =	sst s6  }
0xf: {  	[smem:$0x3FB4] =	sst s7  }
0x10: {  	[smem:$0x3FB5] =	sst s8  }
0x11: {  	[smem:$0x3FB6] =	sst s9;
	s0 =	simm.s32 @!p0 $0x0  }
0x12: {  	s1 =	sld [smem:$0x3F9C];
	s0 =	simm.s32 @p0 $0x1  }
0x13: {  	[smem:$0x3FB7] =	sst s0;
	s0 =	simm.s32 @!p1 $0x0  }
0x14: {  	s2 =	sld [smem:$0x3F9B];
	s0 =	simm.s32 @p1 $0x1  }
0x15: {  	[smem:$0x3FB8] =	sst s0;
	s0 =	simm.s32 @!p2 $0x0  }
0x16: {  	s3 =	sld [smem:$0x3FDB];
	s0 =	simm.s32 @p2 $0x1  }
0x17: {  	s4 =	simm.s32 $0x1BF5;
	[smem:$0x3FBA] =	sst s0  }
0x18: {  	s0 =	sld [smem:$0x3F9D];
	_ =	swait.ge [sflag:s4], $0x0  }
0x19: {  	s7 =	sld [smem:$0x3F9E]  }
0x1a: {  	s8 =	sadd.s32 $0xFFFFE003, lr  }
0x1b: {  	s9 =	sadd.s32 $0xFFFFFEF7, lr;
	s5 =	simm.s32 $0xFFFFFFFF;
	p2 =	slt.u32 s8, $0xFFFFF086  }
0x1c: {  	p1 =	slt.u32 s9, $0xF7A;
	s5 =	simm.s32 @!p2 $0x0  }
0x1d: {  	s5 =	simm.s32 @p1 $0x1;
	p0 =	seq.s32 s7, s2  }
0x1e: {  	s7 =	smul.u32 @!p0 $0xF7A, s2;
	p2 =	seq.s32 @!p0 s5, $0x0  }
0x1f: {  	s9 =	smul.u32 $0xF7A, s1;
	s8 =	simm.s32 @!p0 $0x1BF5;
	p2 =	por !p2, p0  }
0x20: {  	[sflag:s8] =	ssyncset.s32 @!p0 $0xFFFFF086;
	s6 =	sadd.s32 @!p0 s3, s7;
	s7 =	simm.s32 @!p0 $0x108  }
0x21: {  	s3 =	sadd.s32 s3, s9;
	s6 =	sadd.s32 @!p0 $0x88, s6;
	s7 =	simm.s32 @p2 $0x1082  }
0x22: {  	[simem:s7], [sflag:s8] =	dma.local @!p0 [hbm:s6], $0xF7A  }
0x23: {  	s9 =	sor.u32 $0xD0000000, s2;
	s6 =	simm.s32 $0x108;
	_ =	swait.ge @!p0 [sflag:s8], $0x0  }
0x24: {  	s3 =	sadd.s32 $0x88, s3;
	s6 =	simm.s32 @!p1 $0x1082;
	[sflag:s4] =	ssyncset.s32 $0xFFFFF086  }
0x25: {  	[simem:s6], [sflag:s4] =	dma.local [hbm:s3], $0xF7A  }
0x26: {  	[smem:$0x3F9E] =	sst s1;
	(tag) =	ssettag s2;
	_ =	strace s9  }
0x27: {  	s1 =	sld [smem:$0x3FAE]  }
0x28: {  	s2 =	sld [smem:$0x3FAF]  }
0x29: {  	s4 =	sld [smem:$0x3FB1]  }
0x2a: {  	p0 =	seq.s32 s5, $0x0;
	s5 =	sld [smem:$0x3FB2]  }
0x2b: {  	s6 =	sld [smem:$0x3FB3]  }
0x2c: {  	s7 =	sld [smem:$0x3FB4]  }
0x2d: {  	s3 =	simm.s32 $0x108;
	s8 =	sld [smem:$0x3FB5]  }
0x2e: {  	s3 =	simm.s32 @!p0 $0x1082;
	s9 =	sld [smem:$0x3FB6]  }
0x2f: {  	lr =	sadd.s32 s0, s3;
	s0 =	sld [smem:$0x3FAD]  }
0x30: {  	s3 =	sld [smem:$0x3FB0]  }
0x31: {  	[smem:$0x3FB9] =	sst s10  }
0x32: {  	s10 =	sld [smem:$0x3FB7];
	_ =	sdelay $0x3  }
0x33: {  	p0 =	seq.s32 s10, $0x1;
	s10 =	sld [smem:$0x3FB9];
	_ =	sdelay $0x3  }
0x34: {  	[smem:$0x3FB9] =	sst s10  }
0x35: {  	s10 =	sld [smem:$0x3FB8];
	_ =	sdelay $0x3  }
0x36: {  	p1 =	seq.s32 s10, $0x1;
	s10 =	sld [smem:$0x3FB9];
	_ =	sdelay $0x3  }
0x37: {  	[smem:$0x3FB9] =	sst s10  }
0x38: {  	s10 =	sld [smem:$0x3FBA]  }
0x39: {  	_ = 	snop;
	(pc) =	sbr.ind lr, $3  }
0x3a: {  	_ = 	snop  }
0x3b: {  	_ = 	snop  }
0x3c: {  	p2 =	seq.s32 s10, $0x1;
	s10 =	sld [smem:$0x3FB9]  }
0x3d: {  	_ =	shalt  }
0x3e: {  	_ =	shalt  }
0x3f: {  	_ =	shalt  }
0x40: {  	_ =	shalt  }
0x41: {  	_ =	shalt  }
0x42: {  	_ =	shalt  }
0x43: {  	_ =	shalt  }
0x44: {  	_ =	shalt  }
0x45: {  	_ =	shalt  }
0x46: {  	_ =	shalt  }
0x47: {  	_ =	shalt  }
0x48: {  	_ =	shalt  }
0x49: {  	_ =	shalt  }
0x4a: {  	_ =	shalt  }
0x4b: {  	_ =	shalt  }
0x4c: {  	_ =	shalt  }
0x4d: {  	_ =	shalt  }
0x4e: {  	_ =	shalt  }
0x4f: {  	_ =	shalt  }
0x50: {  	_ =	shalt  }
0x51: {  	_ =	shalt  }
0x52: {  	_ =	shalt  }
0x53: {  	_ =	shalt  }
0x54: {  	_ =	shalt  }
0x55: {  	_ =	shalt  }
0x56: {  	_ =	shalt  }
0x57: {  	_ =	shalt  }
0x58: {  	_ =	shalt  }
0x59: {  	_ =	shalt  }
0x5a: {  	_ =	shalt  }
0x5b: {  	_ =	shalt  }
0x5c: {  	_ =	shalt  }
0x5d: {  	_ =	shalt  }
0x5e: {  	_ =	shalt  }
0x5f: {  	_ =	shalt  }
0x60: {  	_ =	shalt  }
0x61: {  	_ =	shalt  }
0x62: {  	_ =	shalt  }
0x63: {  	_ =	shalt  }
0x64: {  	_ =	shalt  }
0x65: {  	_ =	shalt  }
0x66: {  	_ =	shalt  }
0x67: {  	_ =	shalt  }
0x68: {  	_ =	shalt  }
0x69: {  	_ =	shalt  }
0x6a: {  	_ =	shalt  }
0x6b: {  	_ =	shalt  }
0x6c: {  	_ =	shalt  }
0x6d: {  	_ =	shalt  }
0x6e: {  	_ =	shalt  }
0x6f: {  	_ =	shalt  }
0x70: {  	_ =	shalt  }
0x71: {  	_ =	shalt  }
0x72: {  	_ =	shalt  }
0x73: {  	_ =	shalt  }
0x74: {  	_ =	shalt  }
0x75: {  	_ =	shalt  }
0x76: {  	_ =	shalt  }
0x77: {  	_ =	shalt  }
0x78: {  	_ =	shalt  }
0x79: {  	_ =	shalt  }
0x7a: {  	_ =	shalt  }
0x7b: {  	_ =	shalt  }
0x7c: {  	_ =	shalt  }
0x7d: {  	_ =	shalt  }
0x7e: {  	_ =	shalt  }
0x7f: {  	_ =	shalt  }
0x80: {  	_ =	shalt  }
0x81: {  	_ =	shalt  }
0x82: {  	_ =	shalt  }
0x83: {  	_ =	shalt  }
0x84: {  	_ =	shalt  }
0x85: {  	_ =	shalt  }
0x86: {  	_ =	shalt  }
0x87: {  	_ =	shalt  }
.Lfunc_end0:
.L_simem_size_0:
called_computation_lowered:
.L_overlay_start_0:
0x88: {  	s2 =	sld [smem:$0x3FD9]  }
0x89: {  	s3 =	sld [smem:$0x3FFE];
	_ =	sdelay $0x1  }
0x8a: {  	s1 =	srdreg.scid  }
0x8b: {  	s0 =	sand.u32 $0x1, s1  }
0x8c: {  	s18 =	sshll.u32 s0, $0xA;
	s2 =	sadd.s32 s3, s2  }
0x8d: {  	s2 =	sadd.s32 s2, s18  }
0x8e: {  	[smem:$0x3FC5] =	sst s2  }
0x8f: {  	_ = 	snop  }
0x90: {  	s2 =	sld [smem:$0x3FC9]  }
0x91: {  	s19 =	sld [smem:$0x3FC8]  }
0x92: {  	s4 =	sld [smem:$0x3FC7]  }
0x93: {  	s5 =	sld [smem:$0x3FD0];
	(tm) =	ssettm $0x1  }
0x94: {  	s6 =	sld [smem:$0x3FFB];
	_ =	sdelay $0x3  }
0x95: {  	_ =	strace s6  }
0x96: {  	s6 =	sld [smem:$0x3FFC];
	_ =	sdelay $0x3  }
0x97: {  	_ =	strace s6  }
0x98: {  	s6 =	sld [smem:$0x3FFD];
	_ =	sdelay $0x3  }
0x99: {  	_ =	strace s6  }
0x9a: {  	_ =	strace $0x8FFFFFFF  }
0x9b: {  	s20 =	sld [smem:$0x3FDB];
	_ =	sdelay $0x1  }
0x9c: {  	s7 =	simm.s32 $_scs_section_size  }
0x9d: {  	s8 =	simm.s32 $_size__tile_overlayer_lowered;
	s9 =	simm.s32 $_tile_overlayer_lowered  }
0x9e: {  	s23 =	simm.s32 $0x1BFF;
	s22 =	sshll.u32 s9, $0x1;
	s6 =	sadd.s32 s7, s20  }
0x9f: {  	s10 =	simm.s32 $0x0;
	s21 =	sshll.u32 s8, $0x1;
	s8 =	sadd.s32 s22, s6  }
0xa0: {  	[timem:s10], [sflag:s23] =	dma.local [hbm:s8], s21  }
0xa1: {  	_ =	swait.ge [sflag:s23], s21  }
0xa2: {  	s7 =	ssub.s32 $0x0, s21;
	[sflag:s23] =	ssyncset.done $0x0  }
0xa3: {  	[sflag:s23] =	ssyncadd.s32 s7;
	_ =	sdelay $0x1  }
0xa4: {  	s24 =	simm.s32 $0x1B8B  }
0xa5: {  	_ =	swait.ge [sflag:s24], $0x1  }
0xa6: {  	[sflag:s24] =	ssyncset.done $0x0  }
0xa7: {  	s25 =	simm.s32 $0x1B8E;
	[sflag:s24] =	ssyncadd.s32 $0xFFFFFFFF  }
0xa8: {  	s26 =	simm.s32 $execute0_lowered;
	[smem:$0x3FD2] =	sst s25  }
0xa9: {  	s7 =	sshll.u32 s26, $0x1;
	_ =	strace $0x80000046;
	[dreg:$0x1] =	wrdreg $0xFFFFFFFF  }
0xaa: {  	s28 =	simm.s32 $_size_execute0_lowered;
	s6 =	sadd.s32 s6, s7;
	[dreg:$0x0] =	wrdreg $0x0  }
0xab: {  	s7 =	sshll.u32 s28, $0x1;
	[dreg:$0x2] =	wrdreg s6  }
0xac: {  	[dreg:$0x3] =	wrdreg s7  }
0xad: {  	[dreg:$0x4] =	wrdreg $0xC0  }
0xae: {  	_ =	task [dreg:s10], $0x5FFFF  }
0xaf: {  	[dreg:$0x1] =	wrdreg $0xFFFFFFFF  }
0xb0: {  	[dreg:$0x0] =	wrdreg $0x60  }
0xb1: {  	[dreg:$0x2] =	wrdreg s2  }
0xb2: {  	[dreg:$0x3] =	wrdreg s19  }
0xb3: {  	[dreg:$0x4] =	wrdreg s4  }
0xb4: {  	[dreg:$0x5] =	wrdreg s5  }
0xb5: {  	[dreg:$0x6] =	wrdreg $0x144000  }
0xb6: {  	[dreg:$0x7] =	wrdreg $0x9  }
0xb7: {  	_ =	task.clear_ibuf [dreg:s10], $0x8FFFF;
	_ =	strace $0x90000046  }
0xb8: {  	s29 =	simm.s32 $0x9;
	_ =	strace $0x80000048  }
0xb9: {  	_ =	swait.ge [sflag:s29], $0x1  }
0xba: {  	[sflag:s29] =	ssyncadd.s32 $0xFFFFFFFF  }
0xbb: {  	_ =	strace $0x90000048  }
0xbc: {  	_ =	sfence  }
0xbd: {  	s30 =	sld [smem:$0x0];
	_ =	sdelay $0x2  }
0xbe: {  	s31 =	sshll.u32 s1, $0xD;
	s1 =	sshrl.u32 s1, $0x2  }
0xbf: {  	s3 =	sand.u32 $0x4000, s31;
	s1 =	sadd.s32 s1, s30  }
0xc0: {  	s0 =	sor.u32 s3, s0;
	s1 =	sshll.u32 s1, $0x11  }
0xc1: {  	s0 =	sor.u32 s1, s0  }
0xc2: {  	s0 =	sadd.s32 $0x8F2B, s0  }
0xc3: {  	[sflag:s0] =	ssyncadd.remote.s32 $0x1  }
0xc4: {  	_ =	sfence.sel $0xFFFF  }
0xc5: {  	[dreg:$0x0] =	wrdreg $0xFFFFFFFF;
	(pc) =	sbr.abs _section_cstart, $3  }
0xc6: {  	[dreg:$0x1] =	wrdreg $0xFFFFFFFF  }
0xc7: {  	_ =	task.clear_ibuf [dreg:s10], $0x2FFFF;
	_ =	strace $0x9FFFFFFF  }
0xc8: {  	(tm) =	ssettm $0x7FFFFFFF  }
0xc9: {  	_ =	shalt  }
tec
execute0_lowered:
.L_overlay_start_1:
0x0: {  	(tag) =	ssettag $0x1  }
0x1: {  	s4 =	rddreg [dreg:$0x0]  }
0x2: {  	s1 =	rddreg [dreg:$0x1]  }
0x3: {  	s5 =	rddreg [dreg:$0x2]  }
0x4: {  	s6 =	rddreg [dreg:$0x3]  }
0x5: {  	s7 =	rddreg [dreg:$0x4]  }
0x6: {  	s3 =	simm.s32 $0x0;
	s0 =	srdreg.scid;
	s2 =	stileid.u32  }
0x7: {  	[smem:$0x7FF] =	sst s3;
	s0 =	sand.u32 $0x1, s0;
	s8 =	sshrl.u32 s2, $0x2  }
0x8: {  	s9 =	sand.u32 $0x3, s2;
	s12 =	sshll.u32 s2, $0xC;
	s18 =	sshll.u32 s2, $0x6  }
0x9: {  	_ =	strace $0x80000047;
	s10 =	sshll.u32 s0, $0xC;
	s11 =	sshll.u32 s8, $0xA  }
0xa: {  	s15 =	sshll.u32 s0, $0x10;
	s5 =	sadd.s32 s5, s12;
	s10 =	sor.u32 s10, s11  }
0xb: {  	s17 =	sshll.u32 s9, $0x7;
	s5 =	sadd.s32 s15, s5;
	s16 =	sshll.u32 s10, $0x2  }
0xc: {  	[dreg:$0x6] =	wrdreg s5;
	s5 =	sor.u32 $0x1C10, s18;
	s11 =	sor.u32 s17, s16  }
0xd: {  	s8 =	sshll.u32 s8, $0x11;
	[dreg:$0x7] =	wrdreg s5;
	s11 =	sshrl.u32 s11, $0x3  }
0xe: {  	s18 =	rddreg [dreg:$0x7];
	s19 =	sadd.s32 s4, s11;
	s4 =	sadd.s32 s8, s7  }
0xf: {  	[dreg:$0x8] =	wrdreg s19;
	s20 =	sadd.s32 $0x4000, s4  }
0x10: {  	s21 =	sadd.s32 $0x8000, s4;
	[dreg:$0x9] =	wrdreg s20  }
0x11: {  	s24 =	sadd.s32 $0xC000, s4;
	[dreg:$0xa] =	wrdreg s21  }
0x12: {  	s13 =	sshll.u32 s2, $0xF;
	s25 =	sadd.s32 $0x10000, s4;
	[dreg:$0xb] =	wrdreg s24  }
0x13: {  	s22 =	sshll.u32 s9, $0x11;
	s26 =	sadd.s32 $0x14000, s4;
	[dreg:$0xc] =	wrdreg s25  }
0x14: {  	s23 =	sshll.u32 s10, $0x4;
	s9 =	sadd.s32 $0x18000, s4;
	[dreg:$0xe] =	wrdreg s26  }
0x15: {  	s7 =	sadd.s32 s13, s7;
	s11 =	sadd.s32 $0x1C000, s4;
	[dreg:$0x10] =	wrdreg s9  }
0x16: {  	s8 =	sor.u32 s22, s23;
	s16 =	sshrl.u32 s7, $0x3;
	[dreg:$0x12] =	wrdreg s11  }
0x17: {  	s5 =	sadd.s32 s6, s8;
	[dreg:$0x17] =	wrdreg s16  }
0x18: {  	s6 =	sadd.s32 $0x800, s5;
	s20 =	rddreg [dreg:$0x6]  }
0x19: {  	s8 =	sadd.s32 $0x1000, s5;
	[dreg:$0xd] =	wrdreg s6  }
0x1a: {  	s10 =	sadd.s32 $0x1800, s5;
	[dreg:$0xf] =	wrdreg s8  }
0x1b: {  	s12 =	sadd.s32 $0x2000, s5;
	[dreg:$0x11] =	wrdreg s10  }
0x1c: {  	s14 =	sadd.s32 $0x2800, s5;
	[dreg:$0x13] =	wrdreg s12  }
0x1d: {  	s15 =	sadd.s32 $0x3000, s5;
	[dreg:$0x14] =	wrdreg s14  }
0x1e: {  	[dreg:$0x15] =	wrdreg s15  }
0x1f: {  	s19 =	sadd.s32 $0x3800, s5;
	s17 =	rddreg [dreg:$0x17]  }
0x20: {  	s21 =	simm.s32 $0x100;
	[dreg:$0x16] =	wrdreg s19  }
0x21: {  	s6 =	simm.s32 $0x10;
	[dreg:$0x18] =	wrdreg s21  }
0x22: {  	[spmem:s17], [sflag:s18] =	dma.local [hbm:s20], $0x1000  }
0x23: {  	_ =	swait.ge [sflag:s6], $0x1000  }
0x24: {  	s7 =	simm.s32 $0x80;
	[sflag:s6] =	ssyncset.done $0x0  }
0x25: {  	s8 =	simm.s32 $0x200;
	s22 =	rddreg [dreg:$0x8];
	[sflag:s6] =	ssyncadd.s32 $0xFFFFF000  }
0x26: {  	[tilespmem:s3], [sflag:$0x10] =	stream.strided.gather [hbm4b:s22+s7], $0x400, s8, s7, $0x38;
	[tilespmem:$0x1C400] =	vst v63  }
0x27: {  	_ =	swait.ge [sflag:s6], $0x400  }
0x28: {  	[sflag:s6] =	ssyncset.done $0x0  }
0x29: {  	[sflag:s6] =	ssyncadd.s32 $0xFFFFFC00  }
0x2a: {  	s9 =	simm.s32 $0x400;
	[bflag:$0x0] =	sbarrier.arrive $0xFFFF  }
0x2b: {  	[tilespmem:s9], [sflag:$0x1] =	stream.linear.gather [spmem:s4], $0x4000, $0x38;
	[tilespmem:$0x1C400] =	vst v63  }
0x2c: {  	s10 =	simm.s32 $0x4400;
	s23 =	rddreg [dreg:$0x9]  }
0x2d: {  	[tilespmem:s10], [sflag:$0x2] =	stream.linear.gather [spmem:s23], $0x4000, $0x38;
	[tilespmem:$0x1C400] =	vst v63  }
0x2e: {  	s11 =	simm.s32 $0x8400;
	s24 =	rddreg [dreg:$0xa]  }
0x2f: {  	[tilespmem:s11], [sflag:$0x3] =	stream.linear.gather [spmem:s24], $0x4000, $0x38;
	[tilespmem:$0x1C400] =	vst v63  }
0x30: {  	s12 =	simm.s32 $0xC400;
	s13 =	rddreg [dreg:$0xb]  }
0x31: {  	[tilespmem:s12], [sflag:$0x4] =	stream.linear.gather [spmem:s13], $0x4000, $0x38;
	[tilespmem:$0x1C400] =	vst v63  }
0x32: {  	s14 =	simm.s32 $0x1;
	s15 =	rddreg [dreg:$0xc];
	s13 =	simm.s32 $0x10400  }
0x33: {  	[tilespmem:s13], [sflag:$0x5] =	stream.linear.gather [spmem:s15], $0x4000, $0x38;
	[tilespmem:$0x1C400] =	vst v63  }
0x34: {  	_ =	swait.ge [sflag:s14], $0x4000  }
0x35: {  	[sflag:s14] =	ssyncset.done $0x0  }
0x36: {  	s15 =	simm.s32 $0x2;
	[sflag:s14] =	ssyncadd.s32 $0xFFFFC000  }
0x37: {  	[tilespmem:s9], [sflag:$0x6] =	stream.indirect.gather.add.f32 [hbm:s1], $0x80, s3, s7, $0xb8;
	[tilespmem:$0x1C400] =	vst v63  }
0x38: {  	_ =	swait.ge [sflag:s15], $0x4000  }
0x39: {  	[sflag:s15] =	ssyncset.done $0x0  }
0x3a: {  	s16 =	simm.s32 $0x3;
	[sflag:s15] =	ssyncadd.s32 $0xFFFFC000  }
0x3b: {  	[tilespmem:s10], [sflag:$0x7] =	stream.indirect.gather.add.f32 [hbm:s1], $0x80, s7, s7, $0xb8;
	[tilespmem:$0x1C400] =	vst v63  }
0x3c: {  	_ =	swait.ge [sflag:s16], $0x4000  }
0x3d: {  	[sflag:s16] =	ssyncset.done $0x0  }
0x3e: {  	s17 =	simm.s32 $0x6;
	s18 =	rddreg [dreg:$0x18];
	[sflag:s16] =	ssyncadd.s32 $0xFFFFC000  }
0x3f: {  	[tilespmem:s11], [sflag:$0x8] =	stream.indirect.gather.add.f32 [hbm:s1], $0x80, s18, s7, $0xb8;
	[tilespmem:$0x1C400] =	vst v63  }
0x40: {  	_ =	swait.ge [sflag:s17], $0x4000  }
0x41: {  	[sflag:s17] =	ssyncset.done $0x0  }
0x42: {  	s18 =	simm.s32 $0x4;
	[sflag:s17] =	ssyncadd.s32 $0xFFFFC000  }
0x43: {  	[hbm4b:s5+s3] =	stream.linear.scatter [tilespmem:s9], [sflag:$0xB], $0x4000, $0x38;
	[tilespmem:$0x1C400] =	vst v63  }
0x44: {  	_ =	swait.ge [sflag:s18], $0x4000  }
0x45: {  	[sflag:s18] =	ssyncset.done $0x0  }
0x46: {  	s25 =	simm.s32 $0x180;
	s20 =	simm.s32 $0x7;
	[sflag:s18] =	ssyncadd.s32 $0xFFFFC000  }
0x47: {  	[tilespmem:s12], [sflag:$0x9] =	stream.indirect.gather.add.f32 [hbm:s1], $0x80, s25, s7, $0xb8;
	[tilespmem:$0x1C400] =	vst v63  }
0x48: {  	_ =	swait.ge [sflag:s20], $0x4000  }
0x49: {  	[sflag:s20] =	ssyncset.done $0x0  }
0x4a: {  	s21 =	simm.s32 $0xB;
	s22 =	rddreg [dreg:$0xd];
	[sflag:s20] =	ssyncadd.s32 $0xFFFFC000  }
0x4b: {  	[hbm4b:s22+s3] =	stream.linear.scatter [tilespmem:s10], [sflag:$0xC], $0x4000, $0x38;
	[tilespmem:$0x1C400] =	vst v63  }
0x4c: {  	_ =	swait.ge [sflag:s21], $0x4000  }
0x4d: {  	[sflag:s21] =	ssyncset.done $0x0  }
0x4e: {  	s22 =	simm.s32 $0x5;
	s23 =	rddreg [dreg:$0xe];
	[sflag:s21] =	ssyncadd.s32 $0xFFFFC000  }
0x4f: {  	[tilespmem:s9], [sflag:$0x1] =	stream.linear.gather [spmem:s23], $0x4000, $0x38;
	[tilespmem:$0x1C400] =	vst v63  }
0x50: {  	_ =	swait.ge [sflag:s22], $0x4000  }
0x51: {  	[sflag:s22] =	ssyncset.done $0x0  }
0x52: {  	s23 =	simm.s32 $0x8;
	[sflag:s22] =	ssyncadd.s32 $0xFFFFC000  }
0x53: {  	[tilespmem:s13], [sflag:$0xA] =	stream.indirect.gather.add.f32 [hbm:s1], $0x80, s8, s7, $0xb8;
	[tilespmem:$0x1C400] =	vst v63  }
0x54: {  	_ =	swait.ge [sflag:s23], $0x4000  }
0x55: {  	[sflag:s23] =	ssyncset.done $0x0  }
0x56: {  	s24 =	rddreg [dreg:$0xf];
	[sflag:s23] =	ssyncadd.s32 $0xFFFFC000  }
0x57: {  	[hbm4b:s24+s3] =	stream.linear.scatter [tilespmem:s11], [sflag:$0xD], $0x4000, $0x38;
	[tilespmem:$0x1C400] =	vst v63  }
0x58: {  	s24 =	simm.s32 $0xC  }
0x59: {  	_ =	swait.ge [sflag:s24], $0x4000  }
0x5a: {  	[sflag:s24] =	ssyncset.done $0x0  }
0x5b: {  	s25 =	rddreg [dreg:$0x10];
	[sflag:s24] =	ssyncadd.s32 $0xFFFFC000  }
0x5c: {  	[tilespmem:s10], [sflag:$0x2] =	stream.linear.gather [spmem:s25], $0x4000, $0x38;
	[tilespmem:$0x1C400] =	vst v63  }
0x5d: {  	_ =	swait.ge [sflag:s14], $0x4000  }
0x5e: {  	[sflag:s14] =	ssyncset.done $0x0  }
0x5f: {  	s26 =	simm.s32 $0x280;
	[sflag:s14] =	ssyncadd.s32 $0xFFFFC000  }
0x60: {  	[tilespmem:s9], [sflag:$0x6] =	stream.indirect.gather.add.f32 [hbm:s1], $0x80, s26, s7, $0xb8;
	[tilespmem:$0x1C400] =	vst v63  }
0x61: {  	s26 =	simm.s32 $0x9  }
0x62: {  	_ =	swait.ge [sflag:s26], $0x4000  }
0x63: {  	[sflag:s26] =	ssyncset.done $0x0  }
0x64: {  	s28 =	rddreg [dreg:$0x11];
	[sflag:s26] =	ssyncadd.s32 $0xFFFFC000  }
0x65: {  	[hbm4b:s28+s3] =	stream.linear.scatter [tilespmem:s12], [sflag:$0xE], $0x4000, $0x38;
	[tilespmem:$0x1C400] =	vst v63  }
0x66: {  	s28 =	simm.s32 $0xD  }
0x67: {  	_ =	swait.ge [sflag:s28], $0x4000  }
0x68: {  	[sflag:s28] =	ssyncset.done $0x0  }
0x69: {  	s29 =	rddreg [dreg:$0x12];
	[sflag:s28] =	ssyncadd.s32 $0xFFFFC000  }
0x6a: {  	[tilespmem:s11], [sflag:$0x3] =	stream.linear.gather [spmem:s29], $0x4000, $0x38;
	[tilespmem:$0x1C400] =	vst v63  }
0x6b: {  	_ =	swait.ge [sflag:s15], $0x4000  }
0x6c: {  	[sflag:s15] =	ssyncset.done $0x0  }
0x6d: {  	s30 =	simm.s32 $0xA;
	s29 =	simm.s32 $0x300;
	[sflag:s15] =	ssyncadd.s32 $0xFFFFC000  }
0x6e: {  	[tilespmem:s10], [sflag:$0x7] =	stream.indirect.gather.add.f32 [hbm:s1], $0x80, s29, s7, $0xb8;
	[tilespmem:$0x1C400] =	vst v63  }
0x6f: {  	_ =	swait.ge [sflag:s30], $0x4000  }
0x70: {  	[sflag:s30] =	ssyncset.done $0x0  }
0x71: {  	s31 =	rddreg [dreg:$0x13];
	[sflag:s30] =	ssyncadd.s32 $0xFFFFC000  }
0x72: {  	[hbm4b:s31+s3] =	stream.linear.scatter [tilespmem:s13], [sflag:$0xF], $0x4000, $0x38;
	[tilespmem:$0x1C400] =	vst v63  }
0x73: {  	_ =	swait.ge [sflag:s16], $0x4000  }
0x74: {  	[sflag:s16] =	ssyncset.done $0x0  }
0x75: {  	s31 =	simm.s32 $0x380;
	[sflag:s16] =	ssyncadd.s32 $0xFFFFC000  }
0x76: {  	[tilespmem:s11], [sflag:$0x8] =	stream.indirect.gather.add.f32 [hbm:s1], $0x80, s31, s7, $0xb8;
	[tilespmem:$0x1C400] =	vst v63  }
0x77: {  	_ =	swait.ge [sflag:s17], $0x4000  }
0x78: {  	[sflag:s17] =	ssyncset.done $0x0  }
0x79: {  	s19 =	rddreg [dreg:$0x14];
	[sflag:s17] =	ssyncadd.s32 $0xFFFFC000  }
0x7a: {  	[hbm4b:s19+s3] =	stream.linear.scatter [tilespmem:s9], [sflag:$0xB], $0x4000, $0x38;
	[tilespmem:$0x1C400] =	vst v63  }
0x7b: {  	_ =	swait.ge [sflag:s20], $0x4000  }
0x7c: {  	[sflag:s20] =	ssyncset.done $0x0  }
0x7d: {  	s0 =	ssub.s32 $0x2, s0;
	s25 =	rddreg [dreg:$0x15];
	[sflag:s20] =	ssyncadd.s32 $0xFFFFC000  }
0x7e: {  	[hbm4b:s25+s3] =	stream.linear.scatter [tilespmem:s10], [sflag:$0xC], $0x4000, $0x38;
	[tilespmem:$0x1C400] =	vst v63  }
0x7f: {  	s25 =	sshrl.u32 s0, $0x1;
	_ =	swait.ge [sflag:s23], $0x4000  }
0x80: {  	s0 =	ssub.s32 s0, s25;
	[sflag:s23] =	ssyncset.done $0x0  }
0x81: {  	s19 =	rddreg [dreg:$0x16];
	s0 =	smax.u32 s0, $0x1;
	[sflag:s23] =	ssyncadd.s32 $0xFFFFC000  }
0x82: {  	[hbm4b:s19+s3] =	stream.linear.scatter [tilespmem:s11], [sflag:$0xD], $0x4000, $0x38;
	[tilespmem:$0x1C400] =	vst v63  }
0x83: {  	p0 =	sne.s32 s0, $0x1;
	_ =	swait.ge [sflag:s21], $0x4000  }
.Ltmp0:
0x84: {  	[sflag:s21] =	ssyncset.done $0x0;
	(pc) =	sbr.rel @!p0 .LBB2_2-.Ltmp0, $4  }
0x85: {  	[sflag:s21] =	ssyncadd.s32 $0xFFFFC000  }
0x86: {  	_ =	swait.ge [sflag:s24], $0x4000  }
0x87: {  	[sflag:s24] =	ssyncset.done $0x0  }
0x88: {  	s0 =	sadd.s32 $0xFFFFFFFF, s0;
	[sflag:s24] =	ssyncadd.s32 $0xFFFFC000  }
.LBB2_1:
0x89: {  	_ =	swait.ge [sflag:s28], $0x4000  }
0x8a: {  	s2 =	rddreg [dreg:$0x17]  }
0x8b: {  	[sflag:s28] =	ssyncset.done $0x0;
	s19 =	rddreg [dreg:$0x7]  }
0x8c: {  	s25 =	rddreg [dreg:$0x6];
	[sflag:s28] =	ssyncadd.s32 $0xFFFFC000  }
0x8d: {  	[spmem:s2], [sflag:s19] =	dma.local [hbm:s25], $0x1000  }
0x8e: {  	_ =	swait.ge [sflag:s6], $0x1000  }
0x8f: {  	[sflag:s6] =	ssyncset.done $0x0  }
0x90: {  	s25 =	rddreg [dreg:$0x8];
	[sflag:s6] =	ssyncadd.s32 $0xFFFFF000  }
0x91: {  	[tilespmem:s3], [sflag:$0x10] =	stream.strided.gather [hbm4b:s25+s7], $0x400, s8, s7, $0x38;
	[tilespmem:$0x1C400] =	vst v63  }
0x92: {  	_ =	swait.ge [sflag:s6], $0x400  }
0x93: {  	[sflag:s6] =	ssyncset.done $0x0  }
0x94: {  	[sflag:s6] =	ssyncadd.s32 $0xFFFFFC00  }
0x95: {  	[bflag:$0x0] =	sbarrier.arrive $0xFFFF  }
0x96: {  	[tilespmem:s9], [sflag:$0x1] =	stream.linear.gather [spmem:s4], $0x4000, $0x38;
	[tilespmem:$0x1C400] =	vst v63  }
0x97: {  	s19 =	rddreg [dreg:$0x9]  }
0x98: {  	[tilespmem:s10], [sflag:$0x2] =	stream.linear.gather [spmem:s19], $0x4000, $0x38;
	[tilespmem:$0x1C400] =	vst v63  }
0x99: {  	s25 =	rddreg [dreg:$0xa]  }
0x9a: {  	[tilespmem:s11], [sflag:$0x3] =	stream.linear.gather [spmem:s25], $0x4000, $0x38;
	[tilespmem:$0x1C400] =	vst v63  }
0x9b: {  	s2 =	rddreg [dreg:$0xb]  }
0x9c: {  	[tilespmem:s12], [sflag:$0x4] =	stream.linear.gather [spmem:s2], $0x4000, $0x38;
	[tilespmem:$0x1C400] =	vst v63  }
0x9d: {  	s25 =	rddreg [dreg:$0xc]  }
0x9e: {  	[tilespmem:s13], [sflag:$0x5] =	stream.linear.gather [spmem:s25], $0x4000, $0x38;
	[tilespmem:$0x1C400] =	vst v63  }
0x9f: {  	_ =	swait.ge [sflag:s14], $0x4000  }
0xa0: {  	[sflag:s14] =	ssyncset.done $0x0  }
0xa1: {  	[sflag:s14] =	ssyncadd.s32 $0xFFFFC000  }
0xa2: {  	[tilespmem:s9], [sflag:$0x6] =	stream.indirect.gather.add.f32 [hbm:s1], $0x80, s3, s7, $0xb8;
	[tilespmem:$0x1C400] =	vst v63  }
0xa3: {  	_ =	swait.ge [sflag:s15], $0x4000  }
0xa4: {  	[sflag:s15] =	ssyncset.done $0x0  }
0xa5: {  	[sflag:s15] =	ssyncadd.s32 $0xFFFFC000  }
0xa6: {  	[tilespmem:s10], [sflag:$0x7] =	stream.indirect.gather.add.f32 [hbm:s1], $0x80, s7, s7, $0xb8;
	[tilespmem:$0x1C400] =	vst v63  }
0xa7: {  	_ =	swait.ge [sflag:s16], $0x4000  }
0xa8: {  	[sflag:s16] =	ssyncset.done $0x0  }
0xa9: {  	s25 =	rddreg [dreg:$0x18];
	[sflag:s16] =	ssyncadd.s32 $0xFFFFC000  }
0xaa: {  	[tilespmem:s11], [sflag:$0x8] =	stream.indirect.gather.add.f32 [hbm:s1], $0x80, s25, s7, $0xb8;
	[tilespmem:$0x1C400] =	vst v63  }
0xab: {  	_ =	swait.ge [sflag:s17], $0x4000  }
0xac: {  	[sflag:s17] =	ssyncset.done $0x0  }
0xad: {  	[sflag:s17] =	ssyncadd.s32 $0xFFFFC000  }
0xae: {  	[hbm4b:s5+s3] =	stream.linear.scatter [tilespmem:s9], [sflag:$0xB], $0x4000, $0x38;
	[tilespmem:$0x1C400] =	vst v63  }
0xaf: {  	_ =	swait.ge [sflag:s18], $0x4000  }
0xb0: {  	[sflag:s18] =	ssyncset.done $0x0  }
0xb1: {  	s19 =	simm.s32 $0x180;
	[sflag:s18] =	ssyncadd.s32 $0xFFFFC000  }
0xb2: {  	[tilespmem:s12], [sflag:$0x9] =	stream.indirect.gather.add.f32 [hbm:s1], $0x80, s19, s7, $0xb8;
	[tilespmem:$0x1C400] =	vst v63  }
0xb3: {  	_ =	swait.ge [sflag:s20], $0x4000  }
0xb4: {  	[sflag:s20] =	ssyncset.done $0x0  }
0xb5: {  	s25 =	rddreg [dreg:$0xd];
	[sflag:s20] =	ssyncadd.s32 $0xFFFFC000  }
0xb6: {  	[hbm4b:s25+s3] =	stream.linear.scatter [tilespmem:s10], [sflag:$0xC], $0x4000, $0x38;
	[tilespmem:$0x1C400] =	vst v63  }
0xb7: {  	_ =	swait.ge [sflag:s21], $0x4000  }
0xb8: {  	[sflag:s21] =	ssyncset.done $0x0  }
0xb9: {  	s19 =	rddreg [dreg:$0xe];
	[sflag:s21] =	ssyncadd.s32 $0xFFFFC000  }
0xba: {  	[tilespmem:s9], [sflag:$0x1] =	stream.linear.gather [spmem:s19], $0x4000, $0x38;
	[tilespmem:$0x1C400] =	vst v63  }
0xbb: {  	_ =	swait.ge [sflag:s22], $0x4000  }
0xbc: {  	[sflag:s22] =	ssyncset.done $0x0  }
0xbd: {  	[sflag:s22] =	ssyncadd.s32 $0xFFFFC000  }
0xbe: {  	[tilespmem:s13], [sflag:$0xA] =	stream.indirect.gather.add.f32 [hbm:s1], $0x80, s8, s7, $0xb8;
	[tilespmem:$0x1C400] =	vst v63  }
0xbf: {  	_ =	swait.ge [sflag:s23], $0x4000  }
0xc0: {  	[sflag:s23] =	ssyncset.done $0x0  }
0xc1: {  	s25 =	rddreg [dreg:$0xf];
	[sflag:s23] =	ssyncadd.s32 $0xFFFFC000  }
0xc2: {  	[hbm4b:s25+s3] =	stream.linear.scatter [tilespmem:s11], [sflag:$0xD], $0x4000, $0x38;
	[tilespmem:$0x1C400] =	vst v63  }
0xc3: {  	_ =	swait.ge [sflag:s24], $0x4000  }
0xc4: {  	[sflag:s24] =	ssyncset.done $0x0  }
0xc5: {  	s19 =	rddreg [dreg:$0x10];
	[sflag:s24] =	ssyncadd.s32 $0xFFFFC000  }
0xc6: {  	[tilespmem:s10], [sflag:$0x2] =	stream.linear.gather [spmem:s19], $0x4000, $0x38;
	[tilespmem:$0x1C400] =	vst v63  }
0xc7: {  	_ =	swait.ge [sflag:s14], $0x4000  }
0xc8: {  	[sflag:s14] =	ssyncset.done $0x0  }
0xc9: {  	s25 =	simm.s32 $0x280;
	[sflag:s14] =	ssyncadd.s32 $0xFFFFC000  }
0xca: {  	[tilespmem:s9], [sflag:$0x6] =	stream.indirect.gather.add.f32 [hbm:s1], $0x80, s25, s7, $0xb8;
	[tilespmem:$0x1C400] =	vst v63  }
0xcb: {  	_ =	swait.ge [sflag:s26], $0x4000  }
0xcc: {  	[sflag:s26] =	ssyncset.done $0x0  }
0xcd: {  	s19 =	rddreg [dreg:$0x11];
	[sflag:s26] =	ssyncadd.s32 $0xFFFFC000  }
0xce: {  	[hbm4b:s19+s3] =	stream.linear.scatter [tilespmem:s12], [sflag:$0xE], $0x4000, $0x38;
	[tilespmem:$0x1C400] =	vst v63  }
0xcf: {  	_ =	swait.ge [sflag:s28], $0x4000  }
0xd0: {  	[sflag:s28] =	ssyncset.done $0x0  }
0xd1: {  	s25 =	rddreg [dreg:$0x12];
	[sflag:s28] =	ssyncadd.s32 $0xFFFFC000  }
0xd2: {  	[tilespmem:s11], [sflag:$0x3] =	stream.linear.gather [spmem:s25], $0x4000, $0x38;
	[tilespmem:$0x1C400] =	vst v63  }
0xd3: {  	_ =	swait.ge [sflag:s15], $0x4000  }
0xd4: {  	[sflag:s15] =	ssyncset.done $0x0  }
0xd5: {  	[sflag:s15] =	ssyncadd.s32 $0xFFFFC000  }
0xd6: {  	[tilespmem:s10], [sflag:$0x7] =	stream.indirect.gather.add.f32 [hbm:s1], $0x80, s29, s7, $0xb8;
	[tilespmem:$0x1C400] =	vst v63  }
0xd7: {  	_ =	swait.ge [sflag:s30], $0x4000  }
0xd8: {  	[sflag:s30] =	ssyncset.done $0x0  }
0xd9: {  	s19 =	rddreg [dreg:$0x13];
	[sflag:s30] =	ssyncadd.s32 $0xFFFFC000  }
0xda: {  	[hbm4b:s19+s3] =	stream.linear.scatter [tilespmem:s13], [sflag:$0xF], $0x4000, $0x38;
	[tilespmem:$0x1C400] =	vst v63  }
0xdb: {  	_ =	swait.ge [sflag:s16], $0x4000  }
0xdc: {  	[sflag:s16] =	ssyncset.done $0x0  }
0xdd: {  	[sflag:s16] =	ssyncadd.s32 $0xFFFFC000  }
0xde: {  	[tilespmem:s11], [sflag:$0x8] =	stream.indirect.gather.add.f32 [hbm:s1], $0x80, s31, s7, $0xb8;
	[tilespmem:$0x1C400] =	vst v63  }
0xdf: {  	_ =	swait.ge [sflag:s17], $0x4000  }
0xe0: {  	[sflag:s17] =	ssyncset.done $0x0  }
0xe1: {  	s25 =	rddreg [dreg:$0x14];
	[sflag:s17] =	ssyncadd.s32 $0xFFFFC000  }
0xe2: {  	[hbm4b:s25+s3] =	stream.linear.scatter [tilespmem:s9], [sflag:$0xB], $0x4000, $0x38;
	[tilespmem:$0x1C400] =	vst v63  }
0xe3: {  	_ =	swait.ge [sflag:s20], $0x4000  }
0xe4: {  	[sflag:s20] =	ssyncset.done $0x0  }
0xe5: {  	s19 =	rddreg [dreg:$0x15];
	[sflag:s20] =	ssyncadd.s32 $0xFFFFC000  }
0xe6: {  	[hbm4b:s19+s3] =	stream.linear.scatter [tilespmem:s10], [sflag:$0xC], $0x4000, $0x38;
	[tilespmem:$0x1C400] =	vst v63  }
0xe7: {  	_ =	swait.ge [sflag:s23], $0x4000  }
0xe8: {  	[sflag:s23] =	ssyncset.done $0x0  }
0xe9: {  	s25 =	rddreg [dreg:$0x16];
	[sflag:s23] =	ssyncadd.s32 $0xFFFFC000  }
0xea: {  	[hbm4b:s25+s3] =	stream.linear.scatter [tilespmem:s11], [sflag:$0xD], $0x4000, $0x38;
	[tilespmem:$0x1C400] =	vst v63  }
0xeb: {  	p0 =	sne.s32 s0, $0x1;
	_ =	swait.ge [sflag:s21], $0x4000  }
.Ltmp1:
0xec: {  	[sflag:s21] =	ssyncset.done $0x0;
	(pc) =	sbr.rel @p0 .LBB2_1-.Ltmp1, $4  }
0xed: {  	[sflag:s21] =	ssyncadd.s32 $0xFFFFC000  }
0xee: {  	_ =	swait.ge [sflag:s24], $0x4000  }
0xef: {  	[sflag:s24] =	ssyncset.done $0x0  }
0xf0: {  	s0 =	sadd.s32 $0xFFFFFFFF, s0;
	[sflag:s24] =	ssyncadd.s32 $0xFFFFC000  }
.LBB2_2:
0xf1: {  	_ =	swait.ge [sflag:s28], $0x4000  }
0xf2: {  	[sflag:s28] =	ssyncset.done $0x0  }
0xf3: {  	[sflag:s28] =	ssyncadd.s32 $0xFFFFC000  }
0xf4: {  	_ =	sfence.sel $0x180000  }
0xf5: {  	[bflag:$0x0] =	sbarrier.arrive $0xFFFF  }
0xf6: {  	_ =	strace $0x90000047  }
0xf7: {  	s0 =	stileid.u32;
	[bflag:$0x2] =	sbarrier.arrive $0xFFFF  }
0xf8: {  	p0 =	sne.s32 s0, $0x0;
	s0 =	rddreg [dreg:$0x5]  }
0xf9: {  	s0 =	sadd.s32 @!p0 $0x100000, s0  }
0xfa: {  	[sflag:s0] =	ssyncadd.tile.s32 @!p0 $0x1;
	_ =	shalt  }
.Lfunc_end2:
_tile_overlayer_lowered:
.L_overlay_start_2:
0xfb: {  	(tag) =	ssettag $0x2  }
0xfc: {  	s0 =	rddreg [dreg:$0x0];
	s2 =	stileid.u32  }
0xfd: {  	s1 =	rddreg [dreg:$0x1];
	p0 =	sne.s32 s2, $0x0  }
0xfe: {  	s3 =	rddreg [dreg:$0x2];
	[bflag:$0x3] =	sbarrier.arrive $0xFFFF;
	s2 =	simm.s32 @!p0 $0x1C10  }
0xff: {  	[timem:s3], [sflag:s2] =	dma.local @!p0 [hbm:s0], s1  }
0x100: {  	s0 =	simm.s32 @!p0 $0x10  }
0x101: {  	_ =	swait.ge @!p0 [sflag:s0], s1  }
0x102: {  	s1 =	ssub.s32 @!p0 $0x0, s1;
	[sflag:s0] =	ssyncset.done @!p0 $0x0  }
0x103: {  	[sflag:s0] =	ssyncadd.s32 @!p0 s1  }
0x104: {  	[bflag:$0x3] =	sbarrier.arrive $0xFFFF  }
0x105: {  	_ =	shalt  }

</sc_bundles>
